<compile_context>
chip_gen: v7x
topology: tpu7x:2x2x1
jax: 0.10.2.dev20260603
libtpu: 0.0.44.dev20260713+nightly
codegen_flags: <defaults>
</compile_context>

<pallas_src>
import functools
import math

import jax
import jax.numpy as jnp
from jax import lax
from jax.experimental import pallas as pl
from jax.experimental.pallas import tpu as pltpu
from jax.experimental.pallas import tpu_sc as plsc

V = 50304; D = 1024; NH = 16; NKV = 4; HD = 64; E = 64; TOPK = 2; FF = 512; L = 2; T = 64
EPS = 1e-06; EMB_MULT = 12.0; RES_MULT = 0.22; ATTN_MULT = 0.015625; THETA = 10000.0
HALF = HD // 2
QKV_COLS = (NH + 2 * NKV) * HD



def _sc_gather_body(table_hbm, idx_hbm, out_hbm, idx_v, rows_v, sem):
    wid = lax.axis_index("s") * 2 + lax.axis_index("c")
    rows_per_w = 8

    @pl.when(wid < T // rows_per_w)
    def _():
        base = wid * rows_per_w
        pltpu.sync_copy(idx_hbm.at[pl.ds(base, rows_per_w)], idx_v)
        pltpu.async_copy(table_hbm.at[idx_v], rows_v, sem).wait()
        pltpu.sync_copy(rows_v, out_hbm.at[pl.ds(base, rows_per_w)])


def _sc_embed_gather(table, ids):
    mesh = plsc.VectorSubcoreMesh(core_axis_name="c", subcore_axis_name="s")
    fn = pl.kernel(
        _sc_gather_body,
        out_type=jax.ShapeDtypeStruct((T, D), jnp.float32),
        mesh=mesh,
        scratch_types=[
            pltpu.VMEM((8,), jnp.int32),
            pltpu.VMEM((8, D), jnp.float32),
            pltpu.SemaphoreType.DMA,
        ],
    )
    return fn(table, ids)



def _attn_body(in_scale, h_ref, ln_ref, wqkv_ref, wo_ref, cos_ref, sin_ref,
               ln2_ref, gate_ref, o_ref, xn_ref, coef_ref, ids_ref):
    res = h_ref[...] * in_scale
    x = res * lax.rsqrt(jnp.mean(res * res, axis=-1, keepdims=True) + EPS) * ln_ref[...]
    qkv = jnp.dot(x, wqkv_ref[...], preferred_element_type=jnp.float32)
    cos = cos_ref[...]
    sin = sin_ref[...]

    def rope(xh):
        x1 = xh[:, :HALF]
        x2 = xh[:, HALF:]
        return jnp.concatenate([x1 * cos - x2 * sin, x1 * sin + x2 * cos], axis=1)

    row = lax.broadcasted_iota(jnp.int32, (T, T), 0)
    col = lax.broadcasted_iota(jnp.int32, (T, T), 1)
    causal = row >= col

    kbase = NH * HD
    vbase = (NH + NKV) * HD
    ks = []
    vs = []
    for kv in range(NKV):
        ks.append(rope(qkv[:, kbase + kv * HD: kbase + (kv + 1) * HD]))
        vs.append(qkv[:, vbase + kv * HD: vbase + (kv + 1) * HD])

    outs = []
    for h in range(NH):
        q = rope(qkv[:, h * HD: (h + 1) * HD])
        k = ks[h // (NH // NKV)]
        v = vs[h // (NH // NKV)]
        s = lax.dot_general(q, k, (((1,), (1,)), ((), ())),
                            preferred_element_type=jnp.float32) * ATTN_MULT
        s = jnp.where(causal, s, -1e30)
        s = s - jnp.max(s, axis=-1, keepdims=True)
        p = jnp.exp(s)
        p = p / jnp.sum(p, axis=-1, keepdims=True)
        outs.append(jnp.dot(p, v, preferred_element_type=jnp.float32))

    o = jnp.concatenate(outs, axis=1)
    h_out = res + jnp.dot(o, wo_ref[...], preferred_element_type=jnp.float32) * RES_MULT
    o_ref[...] = h_out

    x = (h_out * lax.rsqrt(jnp.mean(h_out * h_out, axis=-1, keepdims=True) + EPS)
         * ln2_ref[...])
    xn_ref[...] = x
    logits = jnp.dot(x, gate_ref[...], preferred_element_type=jnp.float32)
    logits = logits - jnp.max(logits, axis=-1, keepdims=True)
    ex = jnp.exp(logits)
    probs = ex / jnp.sum(ex, axis=-1, keepdims=True)

    eiota = lax.broadcasted_iota(jnp.int32, (T, E), 1)
    m1 = jnp.max(probs, axis=-1, keepdims=True)
    i1 = jnp.min(jnp.where(probs == m1, eiota, E), axis=-1, keepdims=True)
    p2 = jnp.where(eiota == i1, -1.0, probs)
    m2 = jnp.max(p2, axis=-1, keepdims=True)
    i2 = jnp.min(jnp.where(p2 == m2, eiota, E), axis=-1, keepdims=True)
    denom = m1 + m2
    coef_te = (jnp.where(eiota == i1, m1, 0.0)
               + jnp.where(eiota == i2, m2, 0.0)) / denom

    sel = (eiota == i1) | (eiota == i2)
    active = jnp.max(jnp.where(sel, 1.0, 0.0), axis=0, keepdims=True)
    er_i = lax.broadcasted_iota(jnp.int32, (E, E), 0)
    ec_i = lax.broadcasted_iota(jnp.int32, (E, E), 1)
    er = er_i.astype(jnp.float32)
    ec = ec_i.astype(jnp.float32)
    lt = jnp.where(er_i <= ec_i, 1.0, 0.0)
    cs = jnp.dot(active, lt, preferred_element_type=jnp.float32)
    num_active = cs[:, E - 1:E]
    pos = cs - active
    onehot = jnp.where((er == pos) & (active == 1.0), 1.0, 0.0)
    ids_act = jnp.max(jnp.where(onehot == 1.0, ec, -1.0), axis=1, keepdims=True)
    eiota_row = lax.broadcasted_iota(jnp.int32, (1, E), 1).astype(jnp.float32)
    last = jnp.max(jnp.where(active == 1.0, eiota_row, -1.0), axis=1, keepdims=True)
    stepcol = lax.broadcasted_iota(jnp.int32, (E, 1), 0).astype(jnp.float32)
    ids_ref[...] = jnp.where(stepcol < num_active, ids_act, last)
    coef_ref[...] = lax.dot_general(onehot, coef_te, (((1,), (1,)), ((), ())),
                                    preferred_element_type=jnp.float32)


def _attn_router(h, ln_w, wqkv, wo, cos, sin, in_scale, ln2_w, gate_w):
    return pl.pallas_call(
        functools.partial(_attn_body, in_scale),
        out_shape=(
            jax.ShapeDtypeStruct((T, D), jnp.float32),
            jax.ShapeDtypeStruct((T, D), jnp.float32),
            jax.ShapeDtypeStruct((E, T), jnp.float32),
            jax.ShapeDtypeStruct((E, 1), jnp.float32),
        ),
    )(h, ln_w.reshape(1, D), wqkv, wo, cos, sin, ln2_w.reshape(1, D), gate_w)



NFB = 2
FB = FF // NFB


def _moe_body(final_norm, ids_ref, xn_ref, coef_ref, res_ref, normw_ref,
              w1_ref, w3_ref, w2_ref, o_ref):
    i = pl.program_id(0)
    j = pl.program_id(1)
    x = xn_ref[...]
    h1 = jnp.dot(x, w1_ref[0], preferred_element_type=jnp.float32)
    h3 = jnp.dot(x, w3_ref[0], preferred_element_type=jnp.float32)
    g = (h1 / (1.0 + jnp.exp(-h1))) * h3
    c = coef_ref[pl.ds(i, 1), :]
    g = g * jnp.transpose(c)
    y = jnp.dot(g, w2_ref[0], preferred_element_type=jnp.float32)

    first = (i == 0) & (j == 0)

    @pl.when(first)
    def _():
        o_ref[...] = res_ref[...] + y * RES_MULT

    @pl.when(jnp.logical_not(first))
    def _():
        o_ref[...] += y * RES_MULT

    if final_norm:
        @pl.when((i == E - 1) & (j == NFB - 1))
        def _():
            out = o_ref[...]
            o_ref[...] = (out * lax.rsqrt(jnp.mean(out * out, axis=-1, keepdims=True) + EPS)
                          * normw_ref[...])


def _moe(xn, coef_sorted, res, ids, w1, w3, w2, norm_w, final_norm):
    grid_spec = pltpu.PrefetchScalarGridSpec(
        num_scalar_prefetch=1,
        grid=(E, NFB),
        in_specs=[
            pl.BlockSpec((T, D), lambda i, j, ids: (0, 0)),
            pl.BlockSpec((E, T), lambda i, j, ids: (0, 0)),
            pl.BlockSpec((T, D), lambda i, j, ids: (0, 0)),
            pl.BlockSpec((1, D), lambda i, j, ids: (0, 0)),
            pl.BlockSpec((1, D, FB), lambda i, j, ids: (ids[i], 0, j)),
            pl.BlockSpec((1, D, FB), lambda i, j, ids: (ids[i], 0, j)),
            pl.BlockSpec((1, FB, D), lambda i, j, ids: (ids[i], j, 0)),
        ],
        out_specs=pl.BlockSpec((T, D), lambda i, j, ids: (0, 0)),
    )
    return pl.pallas_call(
        functools.partial(_moe_body, final_norm),
        grid_spec=grid_spec,
        out_shape=jax.ShapeDtypeStruct((T, D), jnp.float32),
    )(ids, xn, coef_sorted, res, norm_w.reshape(1, D), w1, w3, w2)



def kernel(input_ids, positions, embed_tokens, ln1_w, ln2_w, wqkv, wo,
           gate_w, w1, w3, w2, norm_w):
    ids = input_ids.astype(jnp.int32)
    h = _sc_embed_gather(embed_tokens, ids)

    posf = positions.astype(jnp.float32)
    inv = jnp.exp(jnp.arange(HALF, dtype=jnp.float32) * (-math.log(THETA) / HALF))
    freqs = posf[:, None] * inv[None, :]
    cos = jnp.cos(freqs)
    sin = jnp.sin(freqs)

    for l in range(L):
        in_scale = EMB_MULT if l == 0 else 1.0
        h, xn, coef_rows, ids_f = _attn_router(h, ln1_w[l], wqkv[l], wo[l],
                                               cos, sin, in_scale, ln2_w[l], gate_w[l])
        eids = ids_f.astype(jnp.int32).reshape(E)
        h = _moe(xn, coef_rows, h, eids, w1[l], w3[l], w2[l], norm_w,
                 final_norm=(l == L - 1))
    return h

# --- scband reference (transcript-rebuilt; emitter-appended) ---
"""Pipeline reference for scband-granite-moe-model-47536698032453 (READ-ONLY COPY).

The authoritative reference and input builder live on the scoring server;
editing this copy changes nothing except your own understanding.
"""

import jax, jax.numpy as jnp
import numpy as np

V = 50304; D = 1024; NH = 16; NKV = 4; HD = 64; E = 64; TOPK = 2; FF = 512; L = 2; T = 64
EPS = 1e-06; EMB_MULT = 12.0; RES_MULT = 0.22; ATTN_MULT = 0.015625; THETA = 10000.0


def rmsnorm(x, w):
    return x * jax.lax.rsqrt(jnp.mean(x * x, axis=-1, keepdims=True) + EPS) * w


def apply_rope(x, positions):
    half = HD // 2
    inv = 1.0 / (THETA ** (jnp.arange(half, dtype=jnp.float32) / half))
    freqs = positions.astype(jnp.float32)[:, None] * inv[None, :]
    cos = jnp.cos(freqs)[:, None, :]
    sin = jnp.sin(freqs)[:, None, :]
    x1 = x[..., :half]
    x2 = x[..., half:]
    return jnp.concatenate([x1 * cos - x2 * sin, x1 * sin + x2 * cos], axis=-1)


def attention(x, positions, wqkv, wo):
    Tq = x.shape[0]
    qkv = x @ wqkv
    q, k, v = jnp.split(qkv, [NH * HD, NH * HD + NKV * HD], axis=-1)
    q = q.reshape(Tq, NH, HD)
    k = k.reshape(Tq, NKV, HD)
    v = v.reshape(Tq, NKV, HD)
    q = apply_rope(q, positions)
    k = apply_rope(k, positions)
    rep = NH // NKV
    k = jnp.repeat(k, rep, axis=1)
    v = jnp.repeat(v, rep, axis=1)
    scores = jnp.einsum('qhd,khd->hqk', q, k) * ATTN_MULT
    mask = jnp.tril(jnp.ones((Tq, Tq), dtype=bool))
    scores = jnp.where(mask[None, :, :], scores, -1e30)
    p = jax.nn.softmax(scores, axis=-1)
    o = jnp.einsum('hqk,khd->qhd', p, v).reshape(Tq, NH * HD)
    return o @ wo


def moe(x, gate_w, w1, w3, w2):
    # router (ReplicatedLinear gate) + FusedMoE with renormalize=True
    logits = x @ gate_w
    probs = jax.nn.softmax(logits, axis=-1)
    topv, topi = jax.lax.top_k(probs, TOPK)
    topv = topv / jnp.sum(topv, axis=-1, keepdims=True)
    # gather per-token expert weights (SparseCore-style gather), then grouped GEMMs
    w1s = w1[topi]  # [T, K, D, FF]
    w3s = w3[topi]
    w2s = w2[topi]  # [T, K, FF, D]
    h1 = jnp.einsum('td,tkdf->tkf', x, w1s)
    h3 = jnp.einsum('td,tkdf->tkf', x, w3s)
    g = jax.nn.silu(h1) * h3
    y = jnp.einsum('tkf,tkfd->tkd', g, w2s)
    return jnp.sum(y * topv[..., None], axis=1)


def forward(input_ids, positions, embed_tokens, ln1_w, ln2_w, wqkv, wo, gate_w, w1, w3, w2, norm_w):
    h = embed_tokens[input_ids] * EMB_MULT
    for l in range(L):
        res = h
        h = rmsnorm(h, ln1_w[l])
        h = attention(h, positions, wqkv[l], wo[l])
        h = res + h * RES_MULT
        res = h
        h = rmsnorm(h, ln2_w[l])
        h = moe(h, gate_w[l], w1[l], w3[l], w2[l])
        h = res + h * RES_MULT
    return rmsnorm(h, norm_w)


def setup_inputs(seed: int = 0):
    key = jax.random.key(seed)
    ks = jax.random.split(key, 12)
    s = 0.02
    return {
        'input_ids': jax.random.randint(ks[0], (T,), 0, V),
        'positions': jnp.arange(T),
        'embed_tokens': jax.random.normal(ks[1], (V, D), dtype=jnp.float32) * s,
        'ln1_w': jnp.ones((L, D), dtype=jnp.float32),
        'ln2_w': jnp.ones((L, D), dtype=jnp.float32),
        'wqkv': jax.random.normal(ks[2], (L, D, (NH + 2 * NKV) * HD), dtype=jnp.float32) * s,
        'wo': jax.random.normal(ks[3], (L, NH * HD, D), dtype=jnp.float32) * s,
        'gate_w': jax.random.normal(ks[4], (L, D, E), dtype=jnp.float32) * s,
        'w1': jax.random.normal(ks[5], (L, E, D, FF), dtype=jnp.float32) * s,
        'w3': jax.random.normal(ks[6], (L, E, D, FF), dtype=jnp.float32) * s,
        'w2': jax.random.normal(ks[7], (L, E, FF, D), dtype=jnp.float32) * s,
        'norm_w': jnp.ones((D,), dtype=jnp.float32),
    }


def reference(input_ids, positions, embed_tokens, ln1_w, ln2_w, wqkv, wo, gate_w, w1, w3, w2, norm_w):
    return forward(input_ids, positions, embed_tokens, ln1_w, ln2_w, wqkv, wo, gate_w, w1, w3, w2, norm_w)

if __name__ == "__main__":
    import jax
    _d = setup_inputs()
    print(jax.jit(kernel)(*tuple(_d.values())))

</pallas_src>

<mosaic_0001>
#map = affine_map<(d0, d1) -> (0, 0)>
#map1 = affine_map<(d0, d1) -> (0)>
module attributes {stable_mosaic.version = 14 : i64} {
  func.func @_sc_gather_body(%arg0: i32, %arg1: i32, %arg2: memref<50304x1024xf32, #tpu.memory_space<hbm>>, %arg3: memref<64xi32, #tpu.memory_space<hbm>>, %arg4: memref<64x1024xf32, #tpu.memory_space<hbm>>, %arg5: memref<8xi32, #tpu.memory_space<vmem>>, %arg6: memref<8x1024xf32, #tpu.memory_space<vmem>>, %arg7: memref<!tpu.dma_semaphore, #tpu.memory_space<semaphore_mem>>) attributes {dimension_semantics = [#tpu.dimension_semantics<core_parallel>, #tpu.dimension_semantics<subcore_parallel>], iteration_bounds = array<i64: 2, 16>, scalar_prefetch = 0 : i64, scratch_operands = 3 : i64, tpu.core_type = #tpu.core_type<sc_vector_subcore>, window_params = [{transform_indices = #map}, {transform_indices = #map1}, {transform_indices = #map}]} {
    %mul3A = arith.constant 2 : i32
    %mul3A_0 = arith.muli %arg1, %mul3A : i32
    %add3A = arith.addi %mul3A_0, %arg0 : i32
    %lt3A = arith.constant 8 : i32
    %lt3A_1 = arith.cmpi slt, %add3A, %lt3A : i32
    %convert_element_type3A = arith.extui %lt3A_1 : i1 to i32
    %cond3A = arith.constant 0 : i32
    %cond3A_2 = arith.cmpi ne, %convert_element_type3A, %cond3A : i32
    scf.if %cond3A_2 {
      %mul3A_3 = arith.constant 8 : i32
      %mul3A_4 = arith.muli %add3A, %mul3A_3 : i32
      "tpu.region"() ({
        %run_scoped3A = tpu.sem_alloc : memref<!tpu.dma_semaphore, #tpu.memory_space<semaphore_mem>>
        %dma_start3A_9 = tpu.memref_slice %arg3[%mul3A_4] : memref<64xi32, #tpu.memory_space<hbm>> -> memref<8xi32, #tpu.memory_space<hbm>>
        %dma_start3A_10 = tpu.memref_slice %arg3[%mul3A_4] : memref<64xi32, #tpu.memory_space<hbm>> -> memref<8xi32, #tpu.memory_space<hbm>>
        tpu.enqueue_dma source(%dma_start3A_10 : memref<8xi32, #tpu.memory_space<hbm>>) target(%arg5 : memref<8xi32, #tpu.memory_space<vmem>>) target_semaphore(%run_scoped3A : memref<!tpu.dma_semaphore, #tpu.memory_space<semaphore_mem>>)
        %dma_wait3A_11 = tpu.memref_slice %arg3[%mul3A_4] : memref<64xi32, #tpu.memory_space<hbm>> -> memref<8xi32, #tpu.memory_space<hbm>>
        %dma_wait3A_12 = tpu.memref_slice %arg3[%mul3A_4] : memref<64xi32, #tpu.memory_space<hbm>> -> memref<8xi32, #tpu.memory_space<hbm>>
        tpu.wait_dma2 semaphore(%run_scoped3A : memref<!tpu.dma_semaphore, #tpu.memory_space<semaphore_mem>>) src(%dma_wait3A_12 : memref<8xi32, #tpu.memory_space<hbm>>) dst(%arg5 : memref<8xi32, #tpu.memory_space<vmem>>)
        tpu.yield
      }) : () -> ()
      %dma_start3A = arith.constant 0 : i32
      %dma_start3A_5 = arith.constant 0 : i32
      %dma_start3A_6 = tpu.memref_slice %arg2[%dma_start3A, %dma_start3A_5] : memref<50304x1024xf32, #tpu.memory_space<hbm>> -> memref<50304x1024xf32, #tpu.memory_space<hbm>>
      tpu.enqueue_indirect_dma source(%dma_start3A_6 : memref<50304x1024xf32, #tpu.memory_space<hbm>>) target(%arg6 : memref<8x1024xf32, #tpu.memory_space<vmem>>) offsets(%arg5 : memref<8xi32, #tpu.memory_space<vmem>>) semaphore(%arg7 : memref<!tpu.dma_semaphore, #tpu.memory_space<semaphore_mem>>)
      %dma_wait3A = arith.constant 0 : i32
      %dma_wait3A_7 = arith.constant 0 : i32
      %dma_wait3A_8 = tpu.memref_slice %arg2[%dma_wait3A, %dma_wait3A_7] : memref<50304x1024xf32, #tpu.memory_space<hbm>> -> memref<50304x1024xf32, #tpu.memory_space<hbm>>
      tpu.wait_indirect_dma semaphore(%arg7 : memref<!tpu.dma_semaphore, #tpu.memory_space<semaphore_mem>>) src(%dma_wait3A_8 : memref<50304x1024xf32, #tpu.memory_space<hbm>>) dst(%arg6 : memref<8x1024xf32, #tpu.memory_space<vmem>>)
      "tpu.region"() ({
        %run_scoped3A = tpu.sem_alloc : memref<!tpu.dma_semaphore, #tpu.memory_space<semaphore_mem>>
        %dma_start3A_9 = arith.constant 0 : i32
        %dma_start3A_10 = tpu.memref_slice %arg4[%mul3A_4, %dma_start3A_9] : memref<64x1024xf32, #tpu.memory_space<hbm>> -> memref<8x1024xf32, #tpu.memory_space<hbm>>
        %dma_start3A_11 = arith.constant 0 : i32
        %dma_start3A_12 = tpu.memref_slice %arg4[%mul3A_4, %dma_start3A_11] : memref<64x1024xf32, #tpu.memory_space<hbm>> -> memref<8x1024xf32, #tpu.memory_space<hbm>>
        tpu.enqueue_dma source(%arg6 : memref<8x1024xf32, #tpu.memory_space<vmem>>) target(%dma_start3A_12 : memref<8x1024xf32, #tpu.memory_space<hbm>>) target_semaphore(%run_scoped3A : memref<!tpu.dma_semaphore, #tpu.memory_space<semaphore_mem>>)
        %dma_wait3A_13 = arith.constant 0 : i32
        %dma_wait3A_14 = tpu.memref_slice %arg4[%mul3A_4, %dma_wait3A_13] : memref<64x1024xf32, #tpu.memory_space<hbm>> -> memref<8x1024xf32, #tpu.memory_space<hbm>>
        %dma_wait3A_15 = arith.constant 0 : i32
        %dma_wait3A_16 = tpu.memref_slice %arg4[%mul3A_4, %dma_wait3A_15] : memref<64x1024xf32, #tpu.memory_space<hbm>> -> memref<8x1024xf32, #tpu.memory_space<hbm>>
        tpu.wait_dma2 semaphore(%run_scoped3A : memref<!tpu.dma_semaphore, #tpu.memory_space<semaphore_mem>>) src(%arg6 : memref<8x1024xf32, #tpu.memory_space<vmem>>) dst(%dma_wait3A_16 : memref<8x1024xf32, #tpu.memory_space<hbm>>)
        tpu.yield
      }) : () -> ()
    } else {
    }
    return
  }
}

module attributes {stable_mosaic.version = 14 : i64} {
  func.func @_moe_body(%arg0: i32, %arg1: i32, %arg2: memref<64xi32, #tpu.memory_space<smem>>, %arg3: memref<64x1024xf32, #tpu.memory_space<vmem>>, %arg4: memref<64x64xf32, #tpu.memory_space<vmem>>, %arg5: memref<64x1024xf32, #tpu.memory_space<vmem>>, %arg6: memref<1x1024xf32, #tpu.memory_space<vmem>>, %arg7: memref<1x1024x256xf32, #tpu.memory_space<vmem>>, %arg8: memref<1x1024x256xf32, #tpu.memory_space<vmem>>, %arg9: memref<1x256x1024xf32, #tpu.memory_space<vmem>>, %arg10: memref<64x1024xf32, #tpu.memory_space<vmem>>) attributes {dimension_semantics = [#tpu.dimension_semantics<arbitrary>, #tpu.dimension_semantics<arbitrary>], iteration_bounds = array<i64: 64, 2>, scalar_prefetch = 1 : i64, scratch_operands = 0 : i64, tpu.core_type = #tpu.core_type<tc>, window_params = [{pipeline_mode = #tpu.pipeline_mode<synchronous>, transform_indices = @transform_0, window_bounds = array<i64: 64, 1024>}, {pipeline_mode = #tpu.pipeline_mode<synchronous>, transform_indices = @transform_1, window_bounds = array<i64: 64, 64>}, {pipeline_mode = #tpu.pipeline_mode<synchronous>, transform_indices = @transform_2, window_bounds = array<i64: 64, 1024>}, {pipeline_mode = #tpu.pipeline_mode<synchronous>, transform_indices = @transform_3, window_bounds = array<i64: 1, 1024>}, {transform_indices = @transform_4, window_bounds = array<i64: 1, 1024, 256>}, {transform_indices = @transform_5, window_bounds = array<i64: 1, 1024, 256>}, {transform_indices = @transform_6, window_bounds = array<i64: 1, 256, 1024>}, {pipeline_mode = #tpu.pipeline_mode<synchronous>, transform_indices = @transform_7, window_bounds = array<i64: 64, 1024>}]} {
    %get3A = arith.constant 0 : index
    %get3A_0 = arith.constant 0 : index
    %get3A_1 = vector.load %arg3[%get3A, %get3A_0] : memref<64x1024xf32, #tpu.memory_space<vmem>>, vector<64x1024xf32>
    %get3A_2 = arith.constant 0 : index
    %get3A_3 = arith.constant 0 : index
    %get3A_4 = arith.constant 0 : index
    %get3A_5 = vector.load %arg7[%get3A_2, %get3A_3, %get3A_4] : memref<1x1024x256xf32, #tpu.memory_space<vmem>>, vector<1x1024x256xf32>
    %get3A_6 = vector.shape_cast %get3A_5 : vector<1x1024x256xf32> to vector<1024x256xf32>
    %dot_general3A = arith.constant dense<0.000000e+00> : vector<64x256xf32>
    %dot_general3A_7 = tpu.matmul %get3A_1, %get3A_6, %dot_general3A {dimension_numbers = #tpu.dot_dimension_numbers<[1], [0], [0], [1], [0, 0, 1, 1], [], []>, transpose_lhs_hint = false} : vector<64x1024xf32>, vector<1024x256xf32>, vector<64x256xf32> -> vector<64x256xf32>
    %get3A_8 = arith.constant 0 : index
    %get3A_9 = arith.constant 0 : index
    %get3A_10 = arith.constant 0 : index
    %get3A_11 = vector.load %arg8[%get3A_8, %get3A_9, %get3A_10] : memref<1x1024x256xf32, #tpu.memory_space<vmem>>, vector<1x1024x256xf32>
    %get3A_12 = vector.shape_cast %get3A_11 : vector<1x1024x256xf32> to vector<1024x256xf32>
    %dot_general3A_13 = arith.constant dense<0.000000e+00> : vector<64x256xf32>
    %dot_general3A_14 = tpu.matmul %get3A_1, %get3A_12, %dot_general3A_13 {dimension_numbers = #tpu.dot_dimension_numbers<[1], [0], [0], [1], [0, 0, 1, 1], [], []>, transpose_lhs_hint = false} : vector<64x1024xf32>, vector<1024x256xf32>, vector<64x256xf32> -> vector<64x256xf32>
    %neg3A = arith.constant 0.000000e+00 : f32
    %neg3A_15 = vector.broadcast %neg3A : f32 to vector<64x256xf32>
    %neg3A_16 = arith.subf %neg3A_15, %dot_general3A_7 : vector<64x256xf32>
    %exp3A = math.exp %neg3A_16 : vector<64x256xf32>
    %add3A = arith.constant 1.000000e+00 : f32
    %add3A_17 = vector.broadcast %add3A : f32 to vector<64x256xf32>
    %add3A_18 = arith.addf %add3A_17, %exp3A : vector<64x256xf32>
    %div3A = arith.divf %dot_general3A_7, %add3A_18 : vector<64x256xf32>
    %mul3A = arith.mulf %div3A, %dot_general3A_14 : vector<64x256xf32>
    %get3A_19 = arith.index_cast %arg0 : i32 to index
    %get3A_20 = arith.constant 0 : index
    %get3A_21 = vector.load %arg4[%get3A_19, %get3A_20] : memref<64x64xf32, #tpu.memory_space<vmem>>, vector<1x64xf32>
    %transpose3A = tpu.transpose %get3A_21, [1, 0] : vector<1x64xf32> -> vector<64x1xf32>
    %mul3A_22 = vector.broadcast %transpose3A : vector<64x1xf32> to vector<64x256xf32>
    %mul3A_23 = arith.mulf %mul3A, %mul3A_22 : vector<64x256xf32>
    %get3A_24 = arith.constant 0 : index
    %get3A_25 = arith.constant 0 : index
    %get3A_26 = arith.constant 0 : index
    %get3A_27 = vector.load %arg9[%get3A_24, %get3A_25, %get3A_26] : memref<1x256x1024xf32, #tpu.memory_space<vmem>>, vector<1x256x1024xf32>
    %get3A_28 = vector.shape_cast %get3A_27 : vector<1x256x1024xf32> to vector<256x1024xf32>
    %dot_general3A_29 = arith.constant dense<0.000000e+00> : vector<64x1024xf32>
    %dot_general3A_30 = tpu.matmul %mul3A_23, %get3A_28, %dot_general3A_29 {dimension_numbers = #tpu.dot_dimension_numbers<[1], [0], [0], [1], [0, 0, 1, 1], [], []>, transpose_lhs_hint = false} : vector<64x256xf32>, vector<256x1024xf32>, vector<64x1024xf32> -> vector<64x1024xf32>
    %eq3A = arith.constant 0 : i32
    %eq3A_31 = arith.cmpi eq, %arg0, %eq3A : i32
    %eq3A_32 = arith.constant 0 : i32
    %eq3A_33 = arith.cmpi eq, %arg1, %eq3A_32 : i32
    %and3A = arith.andi %eq3A_31, %eq3A_33 : i1
    %convert_element_type3A = arith.extui %and3A : i1 to i32
    %cond3A = arith.constant 0 : i32
    %cond3A_34 = arith.cmpi ne, %convert_element_type3A, %cond3A : i32
    scf.if %cond3A_34 {
      %get3A_39 = arith.constant 0 : index
      %get3A_40 = arith.constant 0 : index
      %get3A_41 = vector.load %arg5[%get3A_39, %get3A_40] : memref<64x1024xf32, #tpu.memory_space<vmem>>, vector<64x1024xf32>
      %mul3A_42 = arith.constant 2.200000e-01 : f32
      %mul3A_43 = vector.broadcast %mul3A_42 : f32 to vector<64x1024xf32>
      %mul3A_44 = arith.mulf %dot_general3A_30, %mul3A_43 : vector<64x1024xf32>
      %add3A_45 = arith.addf %get3A_41, %mul3A_44 : vector<64x1024xf32>
      %swap3A = arith.constant 0 : index
      %swap3A_46 = arith.constant 0 : index
      %swap3A_47 = vector.load %arg10[%swap3A, %swap3A_46] : memref<64x1024xf32, #tpu.memory_space<vmem>>, vector<64x1024xf32>
      tpu.vector_store %arg10[%swap3A, %swap3A_46], %add3A_45 {strides = array<i32>} : memref<64x1024xf32, #tpu.memory_space<vmem>>, vector<64x1024xf32>,
    } else {
    }
    %not3A = arith.constant true
    %not3A_35 = arith.xori %and3A, %not3A : i1
    %convert_element_type3A_36 = arith.extui %not3A_35 : i1 to i32
    %cond3A_37 = arith.constant 0 : i32
    %cond3A_38 = arith.cmpi ne, %convert_element_type3A_36, %cond3A_37 : i32
    scf.if %cond3A_38 {
      %get3A_39 = arith.constant 0 : index
      %get3A_40 = arith.constant 0 : index
      %get3A_41 = vector.load %arg10[%get3A_39, %get3A_40] : memref<64x1024xf32, #tpu.memory_space<vmem>>, vector<64x1024xf32>
      %mul3A_42 = arith.constant 2.200000e-01 : f32
      %mul3A_43 = vector.broadcast %mul3A_42 : f32 to vector<64x1024xf32>
      %mul3A_44 = arith.mulf %dot_general3A_30, %mul3A_43 : vector<64x1024xf32>
      %add3A_45 = arith.addf %get3A_41, %mul3A_44 : vector<64x1024xf32>
      %swap3A = arith.constant 0 : index
      %swap3A_46 = arith.constant 0 : index
      %swap3A_47 = vector.load %arg10[%swap3A, %swap3A_46] : memref<64x1024xf32, #tpu.memory_space<vmem>>, vector<64x1024xf32>
      tpu.vector_store %arg10[%swap3A, %swap3A_46], %add3A_45 {strides = array<i32>} : memref<64x1024xf32, #tpu.memory_space<vmem>>, vector<64x1024xf32>,
    } else {
    }
    return
  }
  func.func @transform_0(%arg0: i32, %arg1: i32, %arg2: memref<64xi32, #tpu.memory_space<smem>>) -> (i32, i32) {
    %c0_i32 = arith.constant 0 : i32
    %c0_i32_0 = arith.constant 0 : i32
    %c0_i32_1 = arith.constant 0 : i32
    return %c0_i32, %c0_i32_0 : i32, i32
  }
  func.func @transform_1(%arg0: i32, %arg1: i32, %arg2: memref<64xi32, #tpu.memory_space<smem>>) -> (i32, i32) {
    %c0_i32 = arith.constant 0 : i32
    %c0_i32_0 = arith.constant 0 : i32
    %c0_i32_1 = arith.constant 0 : i32
    return %c0_i32, %c0_i32_0 : i32, i32
  }
  func.func @transform_2(%arg0: i32, %arg1: i32, %arg2: memref<64xi32, #tpu.memory_space<smem>>) -> (i32, i32) {
    %c0_i32 = arith.constant 0 : i32
    %c0_i32_0 = arith.constant 0 : i32
    %c0_i32_1 = arith.constant 0 : i32
    return %c0_i32, %c0_i32_0 : i32, i32
  }
  func.func @transform_3(%arg0: i32, %arg1: i32, %arg2: memref<64xi32, #tpu.memory_space<smem>>) -> (i32, i32) {
    %c0_i32 = arith.constant 0 : i32
    %c0_i32_0 = arith.constant 0 : i32
    %c0_i32_1 = arith.constant 0 : i32
    return %c0_i32, %c0_i32_0 : i32, i32
  }
  func.func @transform_4(%arg0: i32, %arg1: i32, %arg2: memref<64xi32, #tpu.memory_space<smem>>) -> (i32, i32, i32) {
    %get3A = arith.index_cast %arg0 : i32 to index
    %get3A_0 = memref.load %arg2[%get3A] : memref<64xi32, #tpu.memory_space<smem>>
    %c0_i32 = arith.constant 0 : i32
    %c0_i32_1 = arith.constant 0 : i32
    return %get3A_0, %c0_i32, %arg1 : i32, i32, i32
  }
  func.func @transform_5(%arg0: i32, %arg1: i32, %arg2: memref<64xi32, #tpu.memory_space<smem>>) -> (i32, i32, i32) {
    %get3A = arith.index_cast %arg0 : i32 to index
    %get3A_0 = memref.load %arg2[%get3A] : memref<64xi32, #tpu.memory_space<smem>>
    %c0_i32 = arith.constant 0 : i32
    %c0_i32_1 = arith.constant 0 : i32
    return %get3A_0, %c0_i32, %arg1 : i32, i32, i32
  }
  func.func @transform_6(%arg0: i32, %arg1: i32, %arg2: memref<64xi32, #tpu.memory_space<smem>>) -> (i32, i32, i32) {
    %get3A = arith.index_cast %arg0 : i32 to index
    %get3A_0 = memref.load %arg2[%get3A] : memref<64xi32, #tpu.memory_space<smem>>
    %c0_i32 = arith.constant 0 : i32
    %c0_i32_1 = arith.constant 0 : i32
    return %get3A_0, %arg1, %c0_i32 : i32, i32, i32
  }
  func.func @transform_7(%arg0: i32, %arg1: i32, %arg2: memref<64xi32, #tpu.memory_space<smem>>) -> (i32, i32) {
    %c0_i32 = arith.constant 0 : i32
    %c0_i32_0 = arith.constant 0 : i32
    %c0_i32_1 = arith.constant 0 : i32
    return %c0_i32, %c0_i32_0 : i32, i32
  }
}

module attributes {stable_mosaic.version = 14 : i64} {
  func.func @_attn_body(%arg0: memref<64x1024xf32, #tpu.memory_space<vmem>>, %arg1: memref<1x1024xf32, #tpu.memory_space<vmem>>, %arg2: memref<1024x1536xf32, #tpu.memory_space<vmem>>, %arg3: memref<1024x1024xf32, #tpu.memory_space<vmem>>, %arg4: memref<64x32xf32, #tpu.memory_space<vmem>>, %arg5: memref<64x32xf32, #tpu.memory_space<vmem>>, %arg6: memref<1x1024xf32, #tpu.memory_space<vmem>>, %arg7: memref<1024x64xf32, #tpu.memory_space<vmem>>, %arg8: memref<64x1024xf32, #tpu.memory_space<vmem>>, %arg9: memref<64x1024xf32, #tpu.memory_space<vmem>>, %arg10: memref<64x64xf32, #tpu.memory_space<vmem>>, %arg11: memref<64x1xf32, #tpu.memory_space<vmem>>) attributes {dimension_semantics = [], scalar_prefetch = 0 : i64, scratch_operands = 0 : i64, tpu.core_type = #tpu.core_type<tc>} {
    %get3A = arith.constant 0 : index
    %get3A_0 = arith.constant 0 : index
    %get3A_1 = vector.load %arg0[%get3A, %get3A_0] : memref<64x1024xf32, #tpu.memory_space<vmem>>, vector<64x1024xf32>
    %mul3A = arith.constant 1.200000e+01 : f32
    %mul3A_2 = vector.broadcast %mul3A : f32 to vector<64x1024xf32>
    %mul3A_3 = arith.mulf %get3A_1, %mul3A_2 : vector<64x1024xf32>
    %mul3A_4 = arith.mulf %mul3A_3, %mul3A_3 : vector<64x1024xf32>
    %reduce_sum3A = arith.constant dense<0.000000e+00> : vector<64xf32>
    %reduce_sum3A_5 = vector.multi_reduction <add>, %mul3A_4, %reduce_sum3A [1] : vector<64x1024xf32> to vector<64xf32>
    %broadcast_in_dim3A = vector.shape_cast %reduce_sum3A_5 : vector<64xf32> to vector<64x1xf32>
    %div3A = arith.constant 1.024000e+03 : f32
    %div3A_6 = vector.broadcast %div3A : f32 to vector<64x1xf32>
    %div3A_7 = arith.divf %broadcast_in_dim3A, %div3A_6 : vector<64x1xf32>
    %add3A = arith.constant 9.99999997E-7 : f32
    %add3A_8 = vector.broadcast %add3A : f32 to vector<64x1xf32>
    %add3A_9 = arith.addf %div3A_7, %add3A_8 : vector<64x1xf32>
    %rsqrt3A = math.rsqrt %add3A_9 : vector<64x1xf32>
    %mul3A_10 = vector.broadcast %rsqrt3A : vector<64x1xf32> to vector<64x1024xf32>
    %mul3A_11 = arith.mulf %mul3A_3, %mul3A_10 : vector<64x1024xf32>
    %get3A_12 = arith.constant 0 : index
    %get3A_13 = arith.constant 0 : index
    %get3A_14 = vector.load %arg1[%get3A_12, %get3A_13] : memref<1x1024xf32, #tpu.memory_space<vmem>>, vector<1x1024xf32>
    %mul3A_15 = vector.broadcast %get3A_14 : vector<1x1024xf32> to vector<64x1024xf32>
    %mul3A_16 = arith.mulf %mul3A_11, %mul3A_15 : vector<64x1024xf32>
    %get3A_17 = arith.constant 0 : index
    %get3A_18 = arith.constant 0 : index
    %get3A_19 = vector.load %arg2[%get3A_17, %get3A_18] : memref<1024x1536xf32, #tpu.memory_space<vmem>>, vector<1024x1536xf32>
    %dot_general3A = arith.constant dense<0.000000e+00> : vector<64x1536xf32>
    %dot_general3A_20 = tpu.matmul %mul3A_16, %get3A_19, %dot_general3A {dimension_numbers = #tpu.dot_dimension_numbers<[1], [0], [0], [1], [0, 0, 1, 1], [], []>, transpose_lhs_hint = false} : vector<64x1024xf32>, vector<1024x1536xf32>, vector<64x1536xf32> -> vector<64x1536xf32>
    %get3A_21 = arith.constant 0 : index
    %get3A_22 = arith.constant 0 : index
    %get3A_23 = vector.load %arg4[%get3A_21, %get3A_22] : memref<64x32xf32, #tpu.memory_space<vmem>>, vector<64x32xf32>
    %get3A_24 = arith.constant 0 : index
    %get3A_25 = arith.constant 0 : index
    %get3A_26 = vector.load %arg5[%get3A_24, %get3A_25] : memref<64x32xf32, #tpu.memory_space<vmem>>, vector<64x32xf32>
    %iota3A = tpu.iota {dimensions = array<i32: 0>} : vector<64x64xi32>
    %iota3A_27 = tpu.iota {dimensions = array<i32: 1>} : vector<64x64xi32>
    %ge3A = arith.cmpi sge, %iota3A, %iota3A_27 : vector<64x64xi32>
    %slice3A = vector.extract_strided_slice %dot_general3A_20 {offsets = [0, 1024], sizes = [64, 64], strides = [1, 1]} : vector<64x1536xf32> to vector<64x64xf32>
    %slice3A_28 = vector.extract_strided_slice %slice3A {offsets = [0, 0], sizes = [64, 32], strides = [1, 1]} : vector<64x64xf32> to vector<64x32xf32>
    %slice3A_29 = vector.extract_strided_slice %slice3A {offsets = [0, 32], sizes = [64, 32], strides = [1, 1]} : vector<64x64xf32> to vector<64x32xf32>
    %mul3A_30 = arith.mulf %slice3A_28, %get3A_23 : vector<64x32xf32>
    %mul3A_31 = arith.mulf %slice3A_29, %get3A_26 : vector<64x32xf32>
    %sub3A = arith.subf %mul3A_30, %mul3A_31 : vector<64x32xf32>
    %mul3A_32 = arith.mulf %slice3A_28, %get3A_26 : vector<64x32xf32>
    %mul3A_33 = arith.mulf %slice3A_29, %get3A_23 : vector<64x32xf32>
    %add3A_34 = arith.addf %mul3A_32, %mul3A_33 : vector<64x32xf32>
    %concatenate3A = tpu.concatenate %sub3A, %add3A_34 in 1 : vector<64x32xf32>, vector<64x32xf32> -> vector<64x64xf32>
    %slice3A_35 = vector.extract_strided_slice %dot_general3A_20 {offsets = [0, 1280], sizes = [64, 64], strides = [1, 1]} : vector<64x1536xf32> to vector<64x64xf32>
    %slice3A_36 = vector.extract_strided_slice %dot_general3A_20 {offsets = [0, 1088], sizes = [64, 64], strides = [1, 1]} : vector<64x1536xf32> to vector<64x64xf32>
    %slice3A_37 = vector.extract_strided_slice %slice3A_36 {offsets = [0, 0], sizes = [64, 32], strides = [1, 1]} : vector<64x64xf32> to vector<64x32xf32>
    %slice3A_38 = vector.extract_strided_slice %slice3A_36 {offsets = [0, 32], sizes = [64, 32], strides = [1, 1]} : vector<64x64xf32> to vector<64x32xf32>
    %mul3A_39 = arith.mulf %slice3A_37, %get3A_23 : vector<64x32xf32>
    %mul3A_40 = arith.mulf %slice3A_38, %get3A_26 : vector<64x32xf32>
    %sub3A_41 = arith.subf %mul3A_39, %mul3A_40 : vector<64x32xf32>
    %mul3A_42 = arith.mulf %slice3A_37, %get3A_26 : vector<64x32xf32>
    %mul3A_43 = arith.mulf %slice3A_38, %get3A_23 : vector<64x32xf32>
    %add3A_44 = arith.addf %mul3A_42, %mul3A_43 : vector<64x32xf32>
    %concatenate3A_45 = tpu.concatenate %sub3A_41, %add3A_44 in 1 : vector<64x32xf32>, vector<64x32xf32> -> vector<64x64xf32>
    %slice3A_46 = vector.extract_strided_slice %dot_general3A_20 {offsets = [0, 1344], sizes = [64, 64], strides = [1, 1]} : vector<64x1536xf32> to vector<64x64xf32>
    %slice3A_47 = vector.extract_strided_slice %dot_general3A_20 {offsets = [0, 1152], sizes = [64, 64], strides = [1, 1]} : vector<64x1536xf32> to vector<64x64xf32>
    %slice3A_48 = vector.extract_strided_slice %slice3A_47 {offsets = [0, 0], sizes = [64, 32], strides = [1, 1]} : vector<64x64xf32> to vector<64x32xf32>
    %slice3A_49 = vector.extract_strided_slice %slice3A_47 {offsets = [0, 32], sizes = [64, 32], strides = [1, 1]} : vector<64x64xf32> to vector<64x32xf32>
    %mul3A_50 = arith.mulf %slice3A_48, %get3A_23 : vector<64x32xf32>
    %mul3A_51 = arith.mulf %slice3A_49, %get3A_26 : vector<64x32xf32>
    %sub3A_52 = arith.subf %mul3A_50, %mul3A_51 : vector<64x32xf32>
    %mul3A_53 = arith.mulf %slice3A_48, %get3A_26 : vector<64x32xf32>
    %mul3A_54 = arith.mulf %slice3A_49, %get3A_23 : vector<64x32xf32>
    %add3A_55 = arith.addf %mul3A_53, %mul3A_54 : vector<64x32xf32>
    %concatenate3A_56 = tpu.concatenate %sub3A_52, %add3A_55 in 1 : vector<64x32xf32>, vector<64x32xf32> -> vector<64x64xf32>
    %slice3A_57 = vector.extract_strided_slice %dot_general3A_20 {offsets = [0, 1408], sizes = [64, 64], strides = [1, 1]} : vector<64x1536xf32> to vector<64x64xf32>
    %slice3A_58 = vector.extract_strided_slice %dot_general3A_20 {offsets = [0, 1216], sizes = [64, 64], strides = [1, 1]} : vector<64x1536xf32> to vector<64x64xf32>
    %slice3A_59 = vector.extract_strided_slice %slice3A_58 {offsets = [0, 0], sizes = [64, 32], strides = [1, 1]} : vector<64x64xf32> to vector<64x32xf32>
    %slice3A_60 = vector.extract_strided_slice %slice3A_58 {offsets = [0, 32], sizes = [64, 32], strides = [1, 1]} : vector<64x64xf32> to vector<64x32xf32>
    %mul3A_61 = arith.mulf %slice3A_59, %get3A_23 : vector<64x32xf32>
    %mul3A_62 = arith.mulf %slice3A_60, %get3A_26 : vector<64x32xf32>
    %sub3A_63 = arith.subf %mul3A_61, %mul3A_62 : vector<64x32xf32>
    %mul3A_64 = arith.mulf %slice3A_59, %get3A_26 : vector<64x32xf32>
    %mul3A_65 = arith.mulf %slice3A_60, %get3A_23 : vector<64x32xf32>
    %add3A_66 = arith.addf %mul3A_64, %mul3A_65 : vector<64x32xf32>
    %concatenate3A_67 = tpu.concatenate %sub3A_63, %add3A_66 in 1 : vector<64x32xf32>, vector<64x32xf32> -> vector<64x64xf32>
    %slice3A_68 = vector.extract_strided_slice %dot_general3A_20 {offsets = [0, 1472], sizes = [64, 64], strides = [1, 1]} : vector<64x1536xf32> to vector<64x64xf32>
    %slice3A_69 = vector.extract_strided_slice %dot_general3A_20 {offsets = [0, 0], sizes = [64, 64], strides = [1, 1]} : vector<64x1536xf32> to vector<64x64xf32>
    %slice3A_70 = vector.extract_strided_slice %slice3A_69 {offsets = [0, 0], sizes = [64, 32], strides = [1, 1]} : vector<64x64xf32> to vector<64x32xf32>
    %slice3A_71 = vector.extract_strided_slice %slice3A_69 {offsets = [0, 32], sizes = [64, 32], strides = [1, 1]} : vector<64x64xf32> to vector<64x32xf32>
    %mul3A_72 = arith.mulf %slice3A_70, %get3A_23 : vector<64x32xf32>
    %mul3A_73 = arith.mulf %slice3A_71, %get3A_26 : vector<64x32xf32>
    %sub3A_74 = arith.subf %mul3A_72, %mul3A_73 : vector<64x32xf32>
    %mul3A_75 = arith.mulf %slice3A_70, %get3A_26 : vector<64x32xf32>
    %mul3A_76 = arith.mulf %slice3A_71, %get3A_23 : vector<64x32xf32>
    %add3A_77 = arith.addf %mul3A_75, %mul3A_76 : vector<64x32xf32>
    %concatenate3A_78 = tpu.concatenate %sub3A_74, %add3A_77 in 1 : vector<64x32xf32>, vector<64x32xf32> -> vector<64x64xf32>
    %dot_general3A_79 = arith.constant dense<0.000000e+00> : vector<64x64xf32>
    %dot_general3A_80 = tpu.matmul %concatenate3A_78, %concatenate3A, %dot_general3A_79 {dimension_numbers = #tpu.dot_dimension_numbers<[1], [1], [0], [0], [0, 0, 1, 0], [], []>, transpose_lhs_hint = false} : vector<64x64xf32>, vector<64x64xf32>, vector<64x64xf32> -> vector<64x64xf32>
    %mul3A_81 = arith.constant 1.562500e-02 : f32
    %mul3A_82 = vector.broadcast %mul3A_81 : f32 to vector<64x64xf32>
    %mul3A_83 = arith.mulf %dot_general3A_80, %mul3A_82 : vector<64x64xf32>
    %jit3A = arith.constant -1.000000e+30 : f32
    %broadcast_in_dim3A_84 = vector.broadcast %jit3A : f32 to vector<64x64xf32>
    %select_n3A = arith.select %ge3A, %mul3A_83, %broadcast_in_dim3A_84 : vector<64x64xi1>, vector<64x64xf32>
    %reduce_max3A = arith.constant dense<0xFF800000> : vector<64xf32>
    %reduce_max3A_85 = vector.multi_reduction <maximumf>, %select_n3A, %reduce_max3A [1] : vector<64x64xf32> to vector<64xf32>
    %broadcast_in_dim3A_86 = vector.shape_cast %reduce_max3A_85 : vector<64xf32> to vector<64x1xf32>
    %sub3A_87 = vector.broadcast %broadcast_in_dim3A_86 : vector<64x1xf32> to vector<64x64xf32>
    %sub3A_88 = arith.subf %select_n3A, %sub3A_87 : vector<64x64xf32>
    %exp3A = math.exp %sub3A_88 : vector<64x64xf32>
    %reduce_sum3A_89 = arith.constant dense<0.000000e+00> : vector<64xf32>
    %reduce_sum3A_90 = vector.multi_reduction <add>, %exp3A, %reduce_sum3A_89 [1] : vector<64x64xf32> to vector<64xf32>
    %broadcast_in_dim3A_91 = vector.shape_cast %reduce_sum3A_90 : vector<64xf32> to vector<64x1xf32>
    %div3A_92 = vector.broadcast %broadcast_in_dim3A_91 : vector<64x1xf32> to vector<64x64xf32>
    %div3A_93 = arith.divf %exp3A, %div3A_92 : vector<64x64xf32>
    %dot_general3A_94 = arith.constant dense<0.000000e+00> : vector<64x64xf32>
    %dot_general3A_95 = tpu.matmul %div3A_93, %slice3A_35, %dot_general3A_94 {dimension_numbers = #tpu.dot_dimension_numbers<[1], [0], [0], [1], [0, 0, 1, 1], [], []>, transpose_lhs_hint = false} : vector<64x64xf32>, vector<64x64xf32>, vector<64x64xf32> -> vector<64x64xf32>
    %slice3A_96 = vector.extract_strided_slice %dot_general3A_20 {offsets = [0, 64], sizes = [64, 64], strides = [1, 1]} : vector<64x1536xf32> to vector<64x64xf32>
    %slice3A_97 = vector.extract_strided_slice %slice3A_96 {offsets = [0, 0], sizes = [64, 32], strides = [1, 1]} : vector<64x64xf32> to vector<64x32xf32>
    %slice3A_98 = vector.extract_strided_slice %slice3A_96 {offsets = [0, 32], sizes = [64, 32], strides = [1, 1]} : vector<64x64xf32> to vector<64x32xf32>
    %mul3A_99 = arith.mulf %slice3A_97, %get3A_23 : vector<64x32xf32>
    %mul3A_100 = arith.mulf %slice3A_98, %get3A_26 : vector<64x32xf32>
    %sub3A_101 = arith.subf %mul3A_99, %mul3A_100 : vector<64x32xf32>
    %mul3A_102 = arith.mulf %slice3A_97, %get3A_26 : vector<64x32xf32>
    %mul3A_103 = arith.mulf %slice3A_98, %get3A_23 : vector<64x32xf32>
    %add3A_104 = arith.addf %mul3A_102, %mul3A_103 : vector<64x32xf32>
    %concatenate3A_105 = tpu.concatenate %sub3A_101, %add3A_104 in 1 : vector<64x32xf32>, vector<64x32xf32> -> vector<64x64xf32>
    %dot_general3A_106 = arith.constant dense<0.000000e+00> : vector<64x64xf32>
    %dot_general3A_107 = tpu.matmul %concatenate3A_105, %concatenate3A, %dot_general3A_106 {dimension_numbers = #tpu.dot_dimension_numbers<[1], [1], [0], [0], [0, 0, 1, 0], [], []>, transpose_lhs_hint = false} : vector<64x64xf32>, vector<64x64xf32>, vector<64x64xf32> -> vector<64x64xf32>
    %mul3A_108 = arith.constant 1.562500e-02 : f32
    %mul3A_109 = vector.broadcast %mul3A_108 : f32 to vector<64x64xf32>
    %mul3A_110 = arith.mulf %dot_general3A_107, %mul3A_109 : vector<64x64xf32>
    %jit3A_111 = arith.constant -1.000000e+30 : f32
    %broadcast_in_dim3A_112 = vector.broadcast %jit3A_111 : f32 to vector<64x64xf32>
    %select_n3A_113 = arith.select %ge3A, %mul3A_110, %broadcast_in_dim3A_112 : vector<64x64xi1>, vector<64x64xf32>
    %reduce_max3A_114 = arith.constant dense<0xFF800000> : vector<64xf32>
    %reduce_max3A_115 = vector.multi_reduction <maximumf>, %select_n3A_113, %reduce_max3A_114 [1] : vector<64x64xf32> to vector<64xf32>
    %broadcast_in_dim3A_116 = vector.shape_cast %reduce_max3A_115 : vector<64xf32> to vector<64x1xf32>
    %sub3A_117 = vector.broadcast %broadcast_in_dim3A_116 : vector<64x1xf32> to vector<64x64xf32>
    %sub3A_118 = arith.subf %select_n3A_113, %sub3A_117 : vector<64x64xf32>
    %exp3A_119 = math.exp %sub3A_118 : vector<64x64xf32>
    %reduce_sum3A_120 = arith.constant dense<0.000000e+00> : vector<64xf32>
    %reduce_sum3A_121 = vector.multi_reduction <add>, %exp3A_119, %reduce_sum3A_120 [1] : vector<64x64xf32> to vector<64xf32>
    %broadcast_in_dim3A_122 = vector.shape_cast %reduce_sum3A_121 : vector<64xf32> to vector<64x1xf32>
    %div3A_123 = vector.broadcast %broadcast_in_dim3A_122 : vector<64x1xf32> to vector<64x64xf32>
    %div3A_124 = arith.divf %exp3A_119, %div3A_123 : vector<64x64xf32>
    %dot_general3A_125 = arith.constant dense<0.000000e+00> : vector<64x64xf32>
    %dot_general3A_126 = tpu.matmul %div3A_124, %slice3A_35, %dot_general3A_125 {dimension_numbers = #tpu.dot_dimension_numbers<[1], [0], [0], [1], [0, 0, 1, 1], [], []>, transpose_lhs_hint = false} : vector<64x64xf32>, vector<64x64xf32>, vector<64x64xf32> -> vector<64x64xf32>
    %slice3A_127 = vector.extract_strided_slice %dot_general3A_20 {offsets = [0, 128], sizes = [64, 64], strides = [1, 1]} : vector<64x1536xf32> to vector<64x64xf32>
    %slice3A_128 = vector.extract_strided_slice %slice3A_127 {offsets = [0, 0], sizes = [64, 32], strides = [1, 1]} : vector<64x64xf32> to vector<64x32xf32>
    %slice3A_129 = vector.extract_strided_slice %slice3A_127 {offsets = [0, 32], sizes = [64, 32], strides = [1, 1]} : vector<64x64xf32> to vector<64x32xf32>
    %mul3A_130 = arith.mulf %slice3A_128, %get3A_23 : vector<64x32xf32>
    %mul3A_131 = arith.mulf %slice3A_129, %get3A_26 : vector<64x32xf32>
    %sub3A_132 = arith.subf %mul3A_130, %mul3A_131 : vector<64x32xf32>
    %mul3A_133 = arith.mulf %slice3A_128, %get3A_26 : vector<64x32xf32>
    %mul3A_134 = arith.mulf %slice3A_129, %get3A_23 : vector<64x32xf32>
    %add3A_135 = arith.addf %mul3A_133, %mul3A_134 : vector<64x32xf32>
    %concatenate3A_136 = tpu.concatenate %sub3A_132, %add3A_135 in 1 : vector<64x32xf32>, vector<64x32xf32> -> vector<64x64xf32>
    %dot_general3A_137 = arith.constant dense<0.000000e+00> : vector<64x64xf32>
    %dot_general3A_138 = tpu.matmul %concatenate3A_136, %concatenate3A, %dot_general3A_137 {dimension_numbers = #tpu.dot_dimension_numbers<[1], [1], [0], [0], [0, 0, 1, 0], [], []>, transpose_lhs_hint = false} : vector<64x64xf32>, vector<64x64xf32>, vector<64x64xf32> -> vector<64x64xf32>
    %mul3A_139 = arith.constant 1.562500e-02 : f32
    %mul3A_140 = vector.broadcast %mul3A_139 : f32 to vector<64x64xf32>
    %mul3A_141 = arith.mulf %dot_general3A_138, %mul3A_140 : vector<64x64xf32>
    %jit3A_142 = arith.constant -1.000000e+30 : f32
    %broadcast_in_dim3A_143 = vector.broadcast %jit3A_142 : f32 to vector<64x64xf32>
    %select_n3A_144 = arith.select %ge3A, %mul3A_141, %broadcast_in_dim3A_143 : vector<64x64xi1>, vector<64x64xf32>
    %reduce_max3A_145 = arith.constant dense<0xFF800000> : vector<64xf32>
    %reduce_max3A_146 = vector.multi_reduction <maximumf>, %select_n3A_144, %reduce_max3A_145 [1] : vector<64x64xf32> to vector<64xf32>
    %broadcast_in_dim3A_147 = vector.shape_cast %reduce_max3A_146 : vector<64xf32> to vector<64x1xf32>
    %sub3A_148 = vector.broadcast %broadcast_in_dim3A_147 : vector<64x1xf32> to vector<64x64xf32>
    %sub3A_149 = arith.subf %select_n3A_144, %sub3A_148 : vector<64x64xf32>
    %exp3A_150 = math.exp %sub3A_149 : vector<64x64xf32>
    %reduce_sum3A_151 = arith.constant dense<0.000000e+00> : vector<64xf32>
    %reduce_sum3A_152 = vector.multi_reduction <add>, %exp3A_150, %reduce_sum3A_151 [1] : vector<64x64xf32> to vector<64xf32>
    %broadcast_in_dim3A_153 = vector.shape_cast %reduce_sum3A_152 : vector<64xf32> to vector<64x1xf32>
    %div3A_154 = vector.broadcast %broadcast_in_dim3A_153 : vector<64x1xf32> to vector<64x64xf32>
    %div3A_155 = arith.divf %exp3A_150, %div3A_154 : vector<64x64xf32>
    %dot_general3A_156 = arith.constant dense<0.000000e+00> : vector<64x64xf32>
    %dot_general3A_157 = tpu.matmul %div3A_155, %slice3A_35, %dot_general3A_156 {dimension_numbers = #tpu.dot_dimension_numbers<[1], [0], [0], [1], [0, 0, 1, 1], [], []>, transpose_lhs_hint = false} : vector<64x64xf32>, vector<64x64xf32>, vector<64x64xf32> -> vector<64x64xf32>
    %slice3A_158 = vector.extract_strided_slice %dot_general3A_20 {offsets = [0, 192], sizes = [64, 64], strides = [1, 1]} : vector<64x1536xf32> to vector<64x64xf32>
    %slice3A_159 = vector.extract_strided_slice %slice3A_158 {offsets = [0, 0], sizes = [64, 32], strides = [1, 1]} : vector<64x64xf32> to vector<64x32xf32>
    %slice3A_160 = vector.extract_strided_slice %slice3A_158 {offsets = [0, 32], sizes = [64, 32], strides = [1, 1]} : vector<64x64xf32> to vector<64x32xf32>
    %mul3A_161 = arith.mulf %slice3A_159, %get3A_23 : vector<64x32xf32>
    %mul3A_162 = arith.mulf %slice3A_160, %get3A_26 : vector<64x32xf32>
    %sub3A_163 = arith.subf %mul3A_161, %mul3A_162 : vector<64x32xf32>
    %mul3A_164 = arith.mulf %slice3A_159, %get3A_26 : vector<64x32xf32>
    %mul3A_165 = arith.mulf %slice3A_160, %get3A_23 : vector<64x32xf32>
    %add3A_166 = arith.addf %mul3A_164, %mul3A_165 : vector<64x32xf32>
    %concatenate3A_167 = tpu.concatenate %sub3A_163, %add3A_166 in 1 : vector<64x32xf32>, vector<64x32xf32> -> vector<64x64xf32>
    %dot_general3A_168 = arith.constant dense<0.000000e+00> : vector<64x64xf32>
    %dot_general3A_169 = tpu.matmul %concatenate3A_167, %concatenate3A, %dot_general3A_168 {dimension_numbers = #tpu.dot_dimension_numbers<[1], [1], [0], [0], [0, 0, 1, 0], [], []>, transpose_lhs_hint = false} : vector<64x64xf32>, vector<64x64xf32>, vector<64x64xf32> -> vector<64x64xf32>
    %mul3A_170 = arith.constant 1.562500e-02 : f32
    %mul3A_171 = vector.broadcast %mul3A_170 : f32 to vector<64x64xf32>
    %mul3A_172 = arith.mulf %dot_general3A_169, %mul3A_171 : vector<64x64xf32>
    %jit3A_173 = arith.constant -1.000000e+30 : f32
    %broadcast_in_dim3A_174 = vector.broadcast %jit3A_173 : f32 to vector<64x64xf32>
    %select_n3A_175 = arith.select %ge3A, %mul3A_172, %broadcast_in_dim3A_174 : vector<64x64xi1>, vector<64x64xf32>
    %reduce_max3A_176 = arith.constant dense<0xFF800000> : vector<64xf32>
    %reduce_max3A_177 = vector.multi_reduction <maximumf>, %select_n3A_175, %reduce_max3A_176 [1] : vector<64x64xf32> to vector<64xf32>
    %broadcast_in_dim3A_178 = vector.shape_cast %reduce_max3A_177 : vector<64xf32> to vector<64x1xf32>
    %sub3A_179 = vector.broadcast %broadcast_in_dim3A_178 : vector<64x1xf32> to vector<64x64xf32>
    %sub3A_180 = arith.subf %select_n3A_175, %sub3A_179 : vector<64x64xf32>
    %exp3A_181 = math.exp %sub3A_180 : vector<64x64xf32>
    %reduce_sum3A_182 = arith.constant dense<0.000000e+00> : vector<64xf32>
    %reduce_sum3A_183 = vector.multi_reduction <add>, %exp3A_181, %reduce_sum3A_182 [1] : vector<64x64xf32> to vector<64xf32>
    %broadcast_in_dim3A_184 = vector.shape_cast %reduce_sum3A_183 : vector<64xf32> to vector<64x1xf32>
    %div3A_185 = vector.broadcast %broadcast_in_dim3A_184 : vector<64x1xf32> to vector<64x64xf32>
    %div3A_186 = arith.divf %exp3A_181, %div3A_185 : vector<64x64xf32>
    %dot_general3A_187 = arith.constant dense<0.000000e+00> : vector<64x64xf32>
    %dot_general3A_188 = tpu.matmul %div3A_186, %slice3A_35, %dot_general3A_187 {dimension_numbers = #tpu.dot_dimension_numbers<[1], [0], [0], [1], [0, 0, 1, 1], [], []>, transpose_lhs_hint = false} : vector<64x64xf32>, vector<64x64xf32>, vector<64x64xf32> -> vector<64x64xf32>
    %slice3A_189 = vector.extract_strided_slice %dot_general3A_20 {offsets = [0, 256], sizes = [64, 64], strides = [1, 1]} : vector<64x1536xf32> to vector<64x64xf32>
    %slice3A_190 = vector.extract_strided_slice %slice3A_189 {offsets = [0, 0], sizes = [64, 32], strides = [1, 1]} : vector<64x64xf32> to vector<64x32xf32>
    %slice3A_191 = vector.extract_strided_slice %slice3A_189 {offsets = [0, 32], sizes = [64, 32], strides = [1, 1]} : vector<64x64xf32> to vector<64x32xf32>
    %mul3A_192 = arith.mulf %slice3A_190, %get3A_23 : vector<64x32xf32>
    %mul3A_193 = arith.mulf %slice3A_191, %get3A_26 : vector<64x32xf32>
    %sub3A_194 = arith.subf %mul3A_192, %mul3A_193 : vector<64x32xf32>
    %mul3A_195 = arith.mulf %slice3A_190, %get3A_26 : vector<64x32xf32>
    %mul3A_196 = arith.mulf %slice3A_191, %get3A_23 : vector<64x32xf32>
    %add3A_197 = arith.addf %mul3A_195, %mul3A_196 : vector<64x32xf32>
    %concatenate3A_198 = tpu.concatenate %sub3A_194, %add3A_197 in 1 : vector<64x32xf32>, vector<64x32xf32> -> vector<64x64xf32>
    %dot_general3A_199 = arith.constant dense<0.000000e+00> : vector<64x64xf32>
    %dot_general3A_200 = tpu.matmul %concatenate3A_198, %concatenate3A_45, %dot_general3A_199 {dimension_numbers = #tpu.dot_dimension_numbers<[1], [1], [0], [0], [0, 0, 1, 0], [], []>, transpose_lhs_hint = false} : vector<64x64xf32>, vector<64x64xf32>, vector<64x64xf32> -> vector<64x64xf32>
    %mul3A_201 = arith.constant 1.562500e-02 : f32
    %mul3A_202 = vector.broadcast %mul3A_201 : f32 to vector<64x64xf32>
    %mul3A_203 = arith.mulf %dot_general3A_200, %mul3A_202 : vector<64x64xf32>
    %jit3A_204 = arith.constant -1.000000e+30 : f32
    %broadcast_in_dim3A_205 = vector.broadcast %jit3A_204 : f32 to vector<64x64xf32>
    %select_n3A_206 = arith.select %ge3A, %mul3A_203, %broadcast_in_dim3A_205 : vector<64x64xi1>, vector<64x64xf32>
    %reduce_max3A_207 = arith.constant dense<0xFF800000> : vector<64xf32>
    %reduce_max3A_208 = vector.multi_reduction <maximumf>, %select_n3A_206, %reduce_max3A_207 [1] : vector<64x64xf32> to vector<64xf32>
    %broadcast_in_dim3A_209 = vector.shape_cast %reduce_max3A_208 : vector<64xf32> to vector<64x1xf32>
    %sub3A_210 = vector.broadcast %broadcast_in_dim3A_209 : vector<64x1xf32> to vector<64x64xf32>
    %sub3A_211 = arith.subf %select_n3A_206, %sub3A_210 : vector<64x64xf32>
    %exp3A_212 = math.exp %sub3A_211 : vector<64x64xf32>
    %reduce_sum3A_213 = arith.constant dense<0.000000e+00> : vector<64xf32>
    %reduce_sum3A_214 = vector.multi_reduction <add>, %exp3A_212, %reduce_sum3A_213 [1] : vector<64x64xf32> to vector<64xf32>
    %broadcast_in_dim3A_215 = vector.shape_cast %reduce_sum3A_214 : vector<64xf32> to vector<64x1xf32>
    %div3A_216 = vector.broadcast %broadcast_in_dim3A_215 : vector<64x1xf32> to vector<64x64xf32>
    %div3A_217 = arith.divf %exp3A_212, %div3A_216 : vector<64x64xf32>
    %dot_general3A_218 = arith.constant dense<0.000000e+00> : vector<64x64xf32>
    %dot_general3A_219 = tpu.matmul %div3A_217, %slice3A_46, %dot_general3A_218 {dimension_numbers = #tpu.dot_dimension_numbers<[1], [0], [0], [1], [0, 0, 1, 1], [], []>, transpose_lhs_hint = false} : vector<64x64xf32>, vector<64x64xf32>, vector<64x64xf32> -> vector<64x64xf32>
    %slice3A_220 = vector.extract_strided_slice %dot_general3A_20 {offsets = [0, 320], sizes = [64, 64], strides = [1, 1]} : vector<64x1536xf32> to vector<64x64xf32>
    %slice3A_221 = vector.extract_strided_slice %slice3A_220 {offsets = [0, 0], sizes = [64, 32], strides = [1, 1]} : vector<64x64xf32> to vector<64x32xf32>
    %slice3A_222 = vector.extract_strided_slice %slice3A_220 {offsets = [0, 32], sizes = [64, 32], strides = [1, 1]} : vector<64x64xf32> to vector<64x32xf32>
    %mul3A_223 = arith.mulf %slice3A_221, %get3A_23 : vector<64x32xf32>
    %mul3A_224 = arith.mulf %slice3A_222, %get3A_26 : vector<64x32xf32>
    %sub3A_225 = arith.subf %mul3A_223, %mul3A_224 : vector<64x32xf32>
    %mul3A_226 = arith.mulf %slice3A_221, %get3A_26 : vector<64x32xf32>
    %mul3A_227 = arith.mulf %slice3A_222, %get3A_23 : vector<64x32xf32>
    %add3A_228 = arith.addf %mul3A_226, %mul3A_227 : vector<64x32xf32>
    %concatenate3A_229 = tpu.concatenate %sub3A_225, %add3A_228 in 1 : vector<64x32xf32>, vector<64x32xf32> -> vector<64x64xf32>
    %dot_general3A_230 = arith.constant dense<0.000000e+00> : vector<64x64xf32>
    %dot_general3A_231 = tpu.matmul %concatenate3A_229, %concatenate3A_45, %dot_general3A_230 {dimension_numbers = #tpu.dot_dimension_numbers<[1], [1], [0], [0], [0, 0, 1, 0], [], []>, transpose_lhs_hint = false} : vector<64x64xf32>, vector<64x64xf32>, vector<64x64xf32> -> vector<64x64xf32>
    %mul3A_232 = arith.constant 1.562500e-02 : f32
    %mul3A_233 = vector.broadcast %mul3A_232 : f32 to vector<64x64xf32>
    %mul3A_234 = arith.mulf %dot_general3A_231, %mul3A_233 : vector<64x64xf32>
    %jit3A_235 = arith.constant -1.000000e+30 : f32
    %broadcast_in_dim3A_236 = vector.broadcast %jit3A_235 : f32 to vector<64x64xf32>
    %select_n3A_237 = arith.select %ge3A, %mul3A_234, %broadcast_in_dim3A_236 : vector<64x64xi1>, vector<64x64xf32>
    %reduce_max3A_238 = arith.constant dense<0xFF800000> : vector<64xf32>
    %reduce_max3A_239 = vector.multi_reduction <maximumf>, %select_n3A_237, %reduce_max3A_238 [1] : vector<64x64xf32> to vector<64xf32>
    %broadcast_in_dim3A_240 = vector.shape_cast %reduce_max3A_239 : vector<64xf32> to vector<64x1xf32>
    %sub3A_241 = vector.broadcast %broadcast_in_dim3A_240 : vector<64x1xf32> to vector<64x64xf32>
    %sub3A_242 = arith.subf %select_n3A_237, %sub3A_241 : vector<64x64xf32>
    %exp3A_243 = math.exp %sub3A_242 : vector<64x64xf32>
    %reduce_sum3A_244 = arith.constant dense<0.000000e+00> : vector<64xf32>
    %reduce_sum3A_245 = vector.multi_reduction <add>, %exp3A_243, %reduce_sum3A_244 [1] : vector<64x64xf32> to vector<64xf32>
    %broadcast_in_dim3A_246 = vector.shape_cast %reduce_sum3A_245 : vector<64xf32> to vector<64x1xf32>
    %div3A_247 = vector.broadcast %broadcast_in_dim3A_246 : vector<64x1xf32> to vector<64x64xf32>
    %div3A_248 = arith.divf %exp3A_243, %div3A_247 : vector<64x64xf32>
    %dot_general3A_249 = arith.constant dense<0.000000e+00> : vector<64x64xf32>
    %dot_general3A_250 = tpu.matmul %div3A_248, %slice3A_46, %dot_general3A_249 {dimension_numbers = #tpu.dot_dimension_numbers<[1], [0], [0], [1], [0, 0, 1, 1], [], []>, transpose_lhs_hint = false} : vector<64x64xf32>, vector<64x64xf32>, vector<64x64xf32> -> vector<64x64xf32>
    %slice3A_251 = vector.extract_strided_slice %dot_general3A_20 {offsets = [0, 384], sizes = [64, 64], strides = [1, 1]} : vector<64x1536xf32> to vector<64x64xf32>
    %slice3A_252 = vector.extract_strided_slice %slice3A_251 {offsets = [0, 0], sizes = [64, 32], strides = [1, 1]} : vector<64x64xf32> to vector<64x32xf32>
    %slice3A_253 = vector.extract_strided_slice %slice3A_251 {offsets = [0, 32], sizes = [64, 32], strides = [1, 1]} : vector<64x64xf32> to vector<64x32xf32>
    %mul3A_254 = arith.mulf %slice3A_252, %get3A_23 : vector<64x32xf32>
    %mul3A_255 = arith.mulf %slice3A_253, %get3A_26 : vector<64x32xf32>
    %sub3A_256 = arith.subf %mul3A_254, %mul3A_255 : vector<64x32xf32>
    %mul3A_257 = arith.mulf %slice3A_252, %get3A_26 : vector<64x32xf32>
    %mul3A_258 = arith.mulf %slice3A_253, %get3A_23 : vector<64x32xf32>
    %add3A_259 = arith.addf %mul3A_257, %mul3A_258 : vector<64x32xf32>
    %concatenate3A_260 = tpu.concatenate %sub3A_256, %add3A_259 in 1 : vector<64x32xf32>, vector<64x32xf32> -> vector<64x64xf32>
    %dot_general3A_261 = arith.constant dense<0.000000e+00> : vector<64x64xf32>
    %dot_general3A_262 = tpu.matmul %concatenate3A_260, %concatenate3A_45, %dot_general3A_261 {dimension_numbers = #tpu.dot_dimension_numbers<[1], [1], [0], [0], [0, 0, 1, 0], [], []>, transpose_lhs_hint = false} : vector<64x64xf32>, vector<64x64xf32>, vector<64x64xf32> -> vector<64x64xf32>
    %mul3A_263 = arith.constant 1.562500e-02 : f32
    %mul3A_264 = vector.broadcast %mul3A_263 : f32 to vector<64x64xf32>
    %mul3A_265 = arith.mulf %dot_general3A_262, %mul3A_264 : vector<64x64xf32>
    %jit3A_266 = arith.constant -1.000000e+30 : f32
    %broadcast_in_dim3A_267 = vector.broadcast %jit3A_266 : f32 to vector<64x64xf32>
    %select_n3A_268 = arith.select %ge3A, %mul3A_265, %broadcast_in_dim3A_267 : vector<64x64xi1>, vector<64x64xf32>
    %reduce_max3A_269 = arith.constant dense<0xFF800000> : vector<64xf32>
    %reduce_max3A_270 = vector.multi_reduction <maximumf>, %select_n3A_268, %reduce_max3A_269 [1] : vector<64x64xf32> to vector<64xf32>
    %broadcast_in_dim3A_271 = vector.shape_cast %reduce_max3A_270 : vector<64xf32> to vector<64x1xf32>
    %sub3A_272 = vector.broadcast %broadcast_in_dim3A_271 : vector<64x1xf32> to vector<64x64xf32>
    %sub3A_273 = arith.subf %select_n3A_268, %sub3A_272 : vector<64x64xf32>
    %exp3A_274 = math.exp %sub3A_273 : vector<64x64xf32>
    %reduce_sum3A_275 = arith.constant dense<0.000000e+00> : vector<64xf32>
    %reduce_sum3A_276 = vector.multi_reduction <add>, %exp3A_274, %reduce_sum3A_275 [1] : vector<64x64xf32> to vector<64xf32>
    %broadcast_in_dim3A_277 = vector.shape_cast %reduce_sum3A_276 : vector<64xf32> to vector<64x1xf32>
    %div3A_278 = vector.broadcast %broadcast_in_dim3A_277 : vector<64x1xf32> to vector<64x64xf32>
    %div3A_279 = arith.divf %exp3A_274, %div3A_278 : vector<64x64xf32>
    %dot_general3A_280 = arith.constant dense<0.000000e+00> : vector<64x64xf32>
    %dot_general3A_281 = tpu.matmul %div3A_279, %slice3A_46, %dot_general3A_280 {dimension_numbers = #tpu.dot_dimension_numbers<[1], [0], [0], [1], [0, 0, 1, 1], [], []>, transpose_lhs_hint = false} : vector<64x64xf32>, vector<64x64xf32>, vector<64x64xf32> -> vector<64x64xf32>
    %slice3A_282 = vector.extract_strided_slice %dot_general3A_20 {offsets = [0, 448], sizes = [64, 64], strides = [1, 1]} : vector<64x1536xf32> to vector<64x64xf32>
    %slice3A_283 = vector.extract_strided_slice %slice3A_282 {offsets = [0, 0], sizes = [64, 32], strides = [1, 1]} : vector<64x64xf32> to vector<64x32xf32>
    %slice3A_284 = vector.extract_strided_slice %slice3A_282 {offsets = [0, 32], sizes = [64, 32], strides = [1, 1]} : vector<64x64xf32> to vector<64x32xf32>
    %mul3A_285 = arith.mulf %slice3A_283, %get3A_23 : vector<64x32xf32>
    %mul3A_286 = arith.mulf %slice3A_284, %get3A_26 : vector<64x32xf32>
    %sub3A_287 = arith.subf %mul3A_285, %mul3A_286 : vector<64x32xf32>
    %mul3A_288 = arith.mulf %slice3A_283, %get3A_26 : vector<64x32xf32>
    %mul3A_289 = arith.mulf %slice3A_284, %get3A_23 : vector<64x32xf32>
    %add3A_290 = arith.addf %mul3A_288, %mul3A_289 : vector<64x32xf32>
    %concatenate3A_291 = tpu.concatenate %sub3A_287, %add3A_290 in 1 : vector<64x32xf32>, vector<64x32xf32> -> vector<64x64xf32>
    %dot_general3A_292 = arith.constant dense<0.000000e+00> : vector<64x64xf32>
    %dot_general3A_293 = tpu.matmul %concatenate3A_291, %concatenate3A_45, %dot_general3A_292 {dimension_numbers = #tpu.dot_dimension_numbers<[1], [1], [0], [0], [0, 0, 1, 0], [], []>, transpose_lhs_hint = false} : vector<64x64xf32>, vector<64x64xf32>, vector<64x64xf32> -> vector<64x64xf32>
    %mul3A_294 = arith.constant 1.562500e-02 : f32
    %mul3A_295 = vector.broadcast %mul3A_294 : f32 to vector<64x64xf32>
    %mul3A_296 = arith.mulf %dot_general3A_293, %mul3A_295 : vector<64x64xf32>
    %jit3A_297 = arith.constant -1.000000e+30 : f32
    %broadcast_in_dim3A_298 = vector.broadcast %jit3A_297 : f32 to vector<64x64xf32>
    %select_n3A_299 = arith.select %ge3A, %mul3A_296, %broadcast_in_dim3A_298 : vector<64x64xi1>, vector<64x64xf32>
    %reduce_max3A_300 = arith.constant dense<0xFF800000> : vector<64xf32>
    %reduce_max3A_301 = vector.multi_reduction <maximumf>, %select_n3A_299, %reduce_max3A_300 [1] : vector<64x64xf32> to vector<64xf32>
    %broadcast_in_dim3A_302 = vector.shape_cast %reduce_max3A_301 : vector<64xf32> to vector<64x1xf32>
    %sub3A_303 = vector.broadcast %broadcast_in_dim3A_302 : vector<64x1xf32> to vector<64x64xf32>
    %sub3A_304 = arith.subf %select_n3A_299, %sub3A_303 : vector<64x64xf32>
    %exp3A_305 = math.exp %sub3A_304 : vector<64x64xf32>
    %reduce_sum3A_306 = arith.constant dense<0.000000e+00> : vector<64xf32>
    %reduce_sum3A_307 = vector.multi_reduction <add>, %exp3A_305, %reduce_sum3A_306 [1] : vector<64x64xf32> to vector<64xf32>
    %broadcast_in_dim3A_308 = vector.shape_cast %reduce_sum3A_307 : vector<64xf32> to vector<64x1xf32>
    %div3A_309 = vector.broadcast %broadcast_in_dim3A_308 : vector<64x1xf32> to vector<64x64xf32>
    %div3A_310 = arith.divf %exp3A_305, %div3A_309 : vector<64x64xf32>
    %dot_general3A_311 = arith.constant dense<0.000000e+00> : vector<64x64xf32>
    %dot_general3A_312 = tpu.matmul %div3A_310, %slice3A_46, %dot_general3A_311 {dimension_numbers = #tpu.dot_dimension_numbers<[1], [0], [0], [1], [0, 0, 1, 1], [], []>, transpose_lhs_hint = false} : vector<64x64xf32>, vector<64x64xf32>, vector<64x64xf32> -> vector<64x64xf32>
    %slice3A_313 = vector.extract_strided_slice %dot_general3A_20 {offsets = [0, 512], sizes = [64, 64], strides = [1, 1]} : vector<64x1536xf32> to vector<64x64xf32>
    %slice3A_314 = vector.extract_strided_slice %slice3A_313 {offsets = [0, 0], sizes = [64, 32], strides = [1, 1]} : vector<64x64xf32> to vector<64x32xf32>
    %slice3A_315 = vector.extract_strided_slice %slice3A_313 {offsets = [0, 32], sizes = [64, 32], strides = [1, 1]} : vector<64x64xf32> to vector<64x32xf32>
    %mul3A_316 = arith.mulf %slice3A_314, %get3A_23 : vector<64x32xf32>
    %mul3A_317 = arith.mulf %slice3A_315, %get3A_26 : vector<64x32xf32>
    %sub3A_318 = arith.subf %mul3A_316, %mul3A_317 : vector<64x32xf32>
    %mul3A_319 = arith.mulf %slice3A_314, %get3A_26 : vector<64x32xf32>
    %mul3A_320 = arith.mulf %slice3A_315, %get3A_23 : vector<64x32xf32>
    %add3A_321 = arith.addf %mul3A_319, %mul3A_320 : vector<64x32xf32>
    %concatenate3A_322 = tpu.concatenate %sub3A_318, %add3A_321 in 1 : vector<64x32xf32>, vector<64x32xf32> -> vector<64x64xf32>
    %dot_general3A_323 = arith.constant dense<0.000000e+00> : vector<64x64xf32>
    %dot_general3A_324 = tpu.matmul %concatenate3A_322, %concatenate3A_56, %dot_general3A_323 {dimension_numbers = #tpu.dot_dimension_numbers<[1], [1], [0], [0], [0, 0, 1, 0], [], []>, transpose_lhs_hint = false} : vector<64x64xf32>, vector<64x64xf32>, vector<64x64xf32> -> vector<64x64xf32>
    %mul3A_325 = arith.constant 1.562500e-02 : f32
    %mul3A_326 = vector.broadcast %mul3A_325 : f32 to vector<64x64xf32>
    %mul3A_327 = arith.mulf %dot_general3A_324, %mul3A_326 : vector<64x64xf32>
    %jit3A_328 = arith.constant -1.000000e+30 : f32
    %broadcast_in_dim3A_329 = vector.broadcast %jit3A_328 : f32 to vector<64x64xf32>
    %select_n3A_330 = arith.select %ge3A, %mul3A_327, %broadcast_in_dim3A_329 : vector<64x64xi1>, vector<64x64xf32>
    %reduce_max3A_331 = arith.constant dense<0xFF800000> : vector<64xf32>
    %reduce_max3A_332 = vector.multi_reduction <maximumf>, %select_n3A_330, %reduce_max3A_331 [1] : vector<64x64xf32> to vector<64xf32>
    %broadcast_in_dim3A_333 = vector.shape_cast %reduce_max3A_332 : vector<64xf32> to vector<64x1xf32>
    %sub3A_334 = vector.broadcast %broadcast_in_dim3A_333 : vector<64x1xf32> to vector<64x64xf32>
    %sub3A_335 = arith.subf %select_n3A_330, %sub3A_334 : vector<64x64xf32>
    %exp3A_336 = math.exp %sub3A_335 : vector<64x64xf32>
    %reduce_sum3A_337 = arith.constant dense<0.000000e+00> : vector<64xf32>
    %reduce_sum3A_338 = vector.multi_reduction <add>, %exp3A_336, %reduce_sum3A_337 [1] : vector<64x64xf32> to vector<64xf32>
    %broadcast_in_dim3A_339 = vector.shape_cast %reduce_sum3A_338 : vector<64xf32> to vector<64x1xf32>
    %div3A_340 = vector.broadcast %broadcast_in_dim3A_339 : vector<64x1xf32> to vector<64x64xf32>
    %div3A_341 = arith.divf %exp3A_336, %div3A_340 : vector<64x64xf32>
    %dot_general3A_342 = arith.constant dense<0.000000e+00> : vector<64x64xf32>
    %dot_general3A_343 = tpu.matmul %div3A_341, %slice3A_57, %dot_general3A_342 {dimension_numbers = #tpu.dot_dimension_numbers<[1], [0], [0], [1], [0, 0, 1, 1], [], []>, transpose_lhs_hint = false} : vector<64x64xf32>, vector<64x64xf32>, vector<64x64xf32> -> vector<64x64xf32>
    %slice3A_344 = vector.extract_strided_slice %dot_general3A_20 {offsets = [0, 576], sizes = [64, 64], strides = [1, 1]} : vector<64x1536xf32> to vector<64x64xf32>
    %slice3A_345 = vector.extract_strided_slice %slice3A_344 {offsets = [0, 0], sizes = [64, 32], strides = [1, 1]} : vector<64x64xf32> to vector<64x32xf32>
    %slice3A_346 = vector.extract_strided_slice %slice3A_344 {offsets = [0, 32], sizes = [64, 32], strides = [1, 1]} : vector<64x64xf32> to vector<64x32xf32>
    %mul3A_347 = arith.mulf %slice3A_345, %get3A_23 : vector<64x32xf32>
    %mul3A_348 = arith.mulf %slice3A_346, %get3A_26 : vector<64x32xf32>
    %sub3A_349 = arith.subf %mul3A_347, %mul3A_348 : vector<64x32xf32>
    %mul3A_350 = arith.mulf %slice3A_345, %get3A_26 : vector<64x32xf32>
    %mul3A_351 = arith.mulf %slice3A_346, %get3A_23 : vector<64x32xf32>
    %add3A_352 = arith.addf %mul3A_350, %mul3A_351 : vector<64x32xf32>
    %concatenate3A_353 = tpu.concatenate %sub3A_349, %add3A_352 in 1 : vector<64x32xf32>, vector<64x32xf32> -> vector<64x64xf32>
    %dot_general3A_354 = arith.constant dense<0.000000e+00> : vector<64x64xf32>
    %dot_general3A_355 = tpu.matmul %concatenate3A_353, %concatenate3A_56, %dot_general3A_354 {dimension_numbers = #tpu.dot_dimension_numbers<[1], [1], [0], [0], [0, 0, 1, 0], [], []>, transpose_lhs_hint = false} : vector<64x64xf32>, vector<64x64xf32>, vector<64x64xf32> -> vector<64x64xf32>
    %mul3A_356 = arith.constant 1.562500e-02 : f32
    %mul3A_357 = vector.broadcast %mul3A_356 : f32 to vector<64x64xf32>
    %mul3A_358 = arith.mulf %dot_general3A_355, %mul3A_357 : vector<64x64xf32>
    %jit3A_359 = arith.constant -1.000000e+30 : f32
    %broadcast_in_dim3A_360 = vector.broadcast %jit3A_359 : f32 to vector<64x64xf32>
    %select_n3A_361 = arith.select %ge3A, %mul3A_358, %broadcast_in_dim3A_360 : vector<64x64xi1>, vector<64x64xf32>
    %reduce_max3A_362 = arith.constant dense<0xFF800000> : vector<64xf32>
    %reduce_max3A_363 = vector.multi_reduction <maximumf>, %select_n3A_361, %reduce_max3A_362 [1] : vector<64x64xf32> to vector<64xf32>
    %broadcast_in_dim3A_364 = vector.shape_cast %reduce_max3A_363 : vector<64xf32> to vector<64x1xf32>
    %sub3A_365 = vector.broadcast %broadcast_in_dim3A_364 : vector<64x1xf32> to vector<64x64xf32>
    %sub3A_366 = arith.subf %select_n3A_361, %sub3A_365 : vector<64x64xf32>
    %exp3A_367 = math.exp %sub3A_366 : vector<64x64xf32>
    %reduce_sum3A_368 = arith.constant dense<0.000000e+00> : vector<64xf32>
    %reduce_sum3A_369 = vector.multi_reduction <add>, %exp3A_367, %reduce_sum3A_368 [1] : vector<64x64xf32> to vector<64xf32>
    %broadcast_in_dim3A_370 = vector.shape_cast %reduce_sum3A_369 : vector<64xf32> to vector<64x1xf32>
    %div3A_371 = vector.broadcast %broadcast_in_dim3A_370 : vector<64x1xf32> to vector<64x64xf32>
    %div3A_372 = arith.divf %exp3A_367, %div3A_371 : vector<64x64xf32>
    %dot_general3A_373 = arith.constant dense<0.000000e+00> : vector<64x64xf32>
    %dot_general3A_374 = tpu.matmul %div3A_372, %slice3A_57, %dot_general3A_373 {dimension_numbers = #tpu.dot_dimension_numbers<[1], [0], [0], [1], [0, 0, 1, 1], [], []>, transpose_lhs_hint = false} : vector<64x64xf32>, vector<64x64xf32>, vector<64x64xf32> -> vector<64x64xf32>
    %slice3A_375 = vector.extract_strided_slice %dot_general3A_20 {offsets = [0, 640], sizes = [64, 64], strides = [1, 1]} : vector<64x1536xf32> to vector<64x64xf32>
    %slice3A_376 = vector.extract_strided_slice %slice3A_375 {offsets = [0, 0], sizes = [64, 32], strides = [1, 1]} : vector<64x64xf32> to vector<64x32xf32>
    %slice3A_377 = vector.extract_strided_slice %slice3A_375 {offsets = [0, 32], sizes = [64, 32], strides = [1, 1]} : vector<64x64xf32> to vector<64x32xf32>
    %mul3A_378 = arith.mulf %slice3A_376, %get3A_23 : vector<64x32xf32>
    %mul3A_379 = arith.mulf %slice3A_377, %get3A_26 : vector<64x32xf32>
    %sub3A_380 = arith.subf %mul3A_378, %mul3A_379 : vector<64x32xf32>
    %mul3A_381 = arith.mulf %slice3A_376, %get3A_26 : vector<64x32xf32>
    %mul3A_382 = arith.mulf %slice3A_377, %get3A_23 : vector<64x32xf32>
    %add3A_383 = arith.addf %mul3A_381, %mul3A_382 : vector<64x32xf32>
    %concatenate3A_384 = tpu.concatenate %sub3A_380, %add3A_383 in 1 : vector<64x32xf32>, vector<64x32xf32> -> vector<64x64xf32>
    %dot_general3A_385 = arith.constant dense<0.000000e+00> : vector<64x64xf32>
    %dot_general3A_386 = tpu.matmul %concatenate3A_384, %concatenate3A_56, %dot_general3A_385 {dimension_numbers = #tpu.dot_dimension_numbers<[1], [1], [0], [0], [0, 0, 1, 0], [], []>, transpose_lhs_hint = false} : vector<64x64xf32>, vector<64x64xf32>, vector<64x64xf32> -> vector<64x64xf32>
    %mul3A_387 = arith.constant 1.562500e-02 : f32
    %mul3A_388 = vector.broadcast %mul3A_387 : f32 to vector<64x64xf32>
    %mul3A_389 = arith.mulf %dot_general3A_386, %mul3A_388 : vector<64x64xf32>
    %jit3A_390 = arith.constant -1.000000e+30 : f32
    %broadcast_in_dim3A_391 = vector.broadcast %jit3A_390 : f32 to vector<64x64xf32>
    %select_n3A_392 = arith.select %ge3A, %mul3A_389, %broadcast_in_dim3A_391 : vector<64x64xi1>, vector<64x64xf32>
    %reduce_max3A_393 = arith.constant dense<0xFF800000> : vector<64xf32>
    %reduce_max3A_394 = vector.multi_reduction <maximumf>, %select_n3A_392, %reduce_max3A_393 [1] : vector<64x64xf32> to vector<64xf32>
    %broadcast_in_dim3A_395 = vector.shape_cast %reduce_max3A_394 : vector<64xf32> to vector<64x1xf32>
    %sub3A_396 = vector.broadcast %broadcast_in_dim3A_395 : vector<64x1xf32> to vector<64x64xf32>
    %sub3A_397 = arith.subf %select_n3A_392, %sub3A_396 : vector<64x64xf32>
    %exp3A_398 = math.exp %sub3A_397 : vector<64x64xf32>
    %reduce_sum3A_399 = arith.constant dense<0.000000e+00> : vector<64xf32>
    %reduce_sum3A_400 = vector.multi_reduction <add>, %exp3A_398, %reduce_sum3A_399 [1] : vector<64x64xf32> to vector<64xf32>
    %broadcast_in_dim3A_401 = vector.shape_cast %reduce_sum3A_400 : vector<64xf32> to vector<64x1xf32>
    %div3A_402 = vector.broadcast %broadcast_in_dim3A_401 : vector<64x1xf32> to vector<64x64xf32>
    %div3A_403 = arith.divf %exp3A_398, %div3A_402 : vector<64x64xf32>
    %dot_general3A_404 = arith.constant dense<0.000000e+00> : vector<64x64xf32>
    %dot_general3A_405 = tpu.matmul %div3A_403, %slice3A_57, %dot_general3A_404 {dimension_numbers = #tpu.dot_dimension_numbers<[1], [0], [0], [1], [0, 0, 1, 1], [], []>, transpose_lhs_hint = false} : vector<64x64xf32>, vector<64x64xf32>, vector<64x64xf32> -> vector<64x64xf32>
    %slice3A_406 = vector.extract_strided_slice %dot_general3A_20 {offsets = [0, 704], sizes = [64, 64], strides = [1, 1]} : vector<64x1536xf32> to vector<64x64xf32>
    %slice3A_407 = vector.extract_strided_slice %slice3A_406 {offsets = [0, 0], sizes = [64, 32], strides = [1, 1]} : vector<64x64xf32> to vector<64x32xf32>
    %slice3A_408 = vector.extract_strided_slice %slice3A_406 {offsets = [0, 32], sizes = [64, 32], strides = [1, 1]} : vector<64x64xf32> to vector<64x32xf32>
    %mul3A_409 = arith.mulf %slice3A_407, %get3A_23 : vector<64x32xf32>
    %mul3A_410 = arith.mulf %slice3A_408, %get3A_26 : vector<64x32xf32>
    %sub3A_411 = arith.subf %mul3A_409, %mul3A_410 : vector<64x32xf32>
    %mul3A_412 = arith.mulf %slice3A_407, %get3A_26 : vector<64x32xf32>
    %mul3A_413 = arith.mulf %slice3A_408, %get3A_23 : vector<64x32xf32>
    %add3A_414 = arith.addf %mul3A_412, %mul3A_413 : vector<64x32xf32>
    %concatenate3A_415 = tpu.concatenate %sub3A_411, %add3A_414 in 1 : vector<64x32xf32>, vector<64x32xf32> -> vector<64x64xf32>
    %dot_general3A_416 = arith.constant dense<0.000000e+00> : vector<64x64xf32>
    %dot_general3A_417 = tpu.matmul %concatenate3A_415, %concatenate3A_56, %dot_general3A_416 {dimension_numbers = #tpu.dot_dimension_numbers<[1], [1], [0], [0], [0, 0, 1, 0], [], []>, transpose_lhs_hint = false} : vector<64x64xf32>, vector<64x64xf32>, vector<64x64xf32> -> vector<64x64xf32>
    %mul3A_418 = arith.constant 1.562500e-02 : f32
    %mul3A_419 = vector.broadcast %mul3A_418 : f32 to vector<64x64xf32>
    %mul3A_420 = arith.mulf %dot_general3A_417, %mul3A_419 : vector<64x64xf32>
    %jit3A_421 = arith.constant -1.000000e+30 : f32
    %broadcast_in_dim3A_422 = vector.broadcast %jit3A_421 : f32 to vector<64x64xf32>
    %select_n3A_423 = arith.select %ge3A, %mul3A_420, %broadcast_in_dim3A_422 : vector<64x64xi1>, vector<64x64xf32>
    %reduce_max3A_424 = arith.constant dense<0xFF800000> : vector<64xf32>
    %reduce_max3A_425 = vector.multi_reduction <maximumf>, %select_n3A_423, %reduce_max3A_424 [1] : vector<64x64xf32> to vector<64xf32>
    %broadcast_in_dim3A_426 = vector.shape_cast %reduce_max3A_425 : vector<64xf32> to vector<64x1xf32>
    %sub3A_427 = vector.broadcast %broadcast_in_dim3A_426 : vector<64x1xf32> to vector<64x64xf32>
    %sub3A_428 = arith.subf %select_n3A_423, %sub3A_427 : vector<64x64xf32>
    %exp3A_429 = math.exp %sub3A_428 : vector<64x64xf32>
    %reduce_sum3A_430 = arith.constant dense<0.000000e+00> : vector<64xf32>
    %reduce_sum3A_431 = vector.multi_reduction <add>, %exp3A_429, %reduce_sum3A_430 [1] : vector<64x64xf32> to vector<64xf32>
    %broadcast_in_dim3A_432 = vector.shape_cast %reduce_sum3A_431 : vector<64xf32> to vector<64x1xf32>
    %div3A_433 = vector.broadcast %broadcast_in_dim3A_432 : vector<64x1xf32> to vector<64x64xf32>
    %div3A_434 = arith.divf %exp3A_429, %div3A_433 : vector<64x64xf32>
    %dot_general3A_435 = arith.constant dense<0.000000e+00> : vector<64x64xf32>
    %dot_general3A_436 = tpu.matmul %div3A_434, %slice3A_57, %dot_general3A_435 {dimension_numbers = #tpu.dot_dimension_numbers<[1], [0], [0], [1], [0, 0, 1, 1], [], []>, transpose_lhs_hint = false} : vector<64x64xf32>, vector<64x64xf32>, vector<64x64xf32> -> vector<64x64xf32>
    %slice3A_437 = vector.extract_strided_slice %dot_general3A_20 {offsets = [0, 768], sizes = [64, 64], strides = [1, 1]} : vector<64x1536xf32> to vector<64x64xf32>
    %slice3A_438 = vector.extract_strided_slice %slice3A_437 {offsets = [0, 0], sizes = [64, 32], strides = [1, 1]} : vector<64x64xf32> to vector<64x32xf32>
    %slice3A_439 = vector.extract_strided_slice %slice3A_437 {offsets = [0, 32], sizes = [64, 32], strides = [1, 1]} : vector<64x64xf32> to vector<64x32xf32>
    %mul3A_440 = arith.mulf %slice3A_438, %get3A_23 : vector<64x32xf32>
    %mul3A_441 = arith.mulf %slice3A_439, %get3A_26 : vector<64x32xf32>
    %sub3A_442 = arith.subf %mul3A_440, %mul3A_441 : vector<64x32xf32>
    %mul3A_443 = arith.mulf %slice3A_438, %get3A_26 : vector<64x32xf32>
    %mul3A_444 = arith.mulf %slice3A_439, %get3A_23 : vector<64x32xf32>
    %add3A_445 = arith.addf %mul3A_443, %mul3A_444 : vector<64x32xf32>
    %concatenate3A_446 = tpu.concatenate %sub3A_442, %add3A_445 in 1 : vector<64x32xf32>, vector<64x32xf32> -> vector<64x64xf32>
    %dot_general3A_447 = arith.constant dense<0.000000e+00> : vector<64x64xf32>
    %dot_general3A_448 = tpu.matmul %concatenate3A_446, %concatenate3A_67, %dot_general3A_447 {dimension_numbers = #tpu.dot_dimension_numbers<[1], [1], [0], [0], [0, 0, 1, 0], [], []>, transpose_lhs_hint = false} : vector<64x64xf32>, vector<64x64xf32>, vector<64x64xf32> -> vector<64x64xf32>
    %mul3A_449 = arith.constant 1.562500e-02 : f32
    %mul3A_450 = vector.broadcast %mul3A_449 : f32 to vector<64x64xf32>
    %mul3A_451 = arith.mulf %dot_general3A_448, %mul3A_450 : vector<64x64xf32>
    %jit3A_452 = arith.constant -1.000000e+30 : f32
    %broadcast_in_dim3A_453 = vector.broadcast %jit3A_452 : f32 to vector<64x64xf32>
    %select_n3A_454 = arith.select %ge3A, %mul3A_451, %broadcast_in_dim3A_453 : vector<64x64xi1>, vector<64x64xf32>
    %reduce_max3A_455 = arith.constant dense<0xFF800000> : vector<64xf32>
    %reduce_max3A_456 = vector.multi_reduction <maximumf>, %select_n3A_454, %reduce_max3A_455 [1] : vector<64x64xf32> to vector<64xf32>
    %broadcast_in_dim3A_457 = vector.shape_cast %reduce_max3A_456 : vector<64xf32> to vector<64x1xf32>
    %sub3A_458 = vector.broadcast %broadcast_in_dim3A_457 : vector<64x1xf32> to vector<64x64xf32>
    %sub3A_459 = arith.subf %select_n3A_454, %sub3A_458 : vector<64x64xf32>
    %exp3A_460 = math.exp %sub3A_459 : vector<64x64xf32>
    %reduce_sum3A_461 = arith.constant dense<0.000000e+00> : vector<64xf32>
    %reduce_sum3A_462 = vector.multi_reduction <add>, %exp3A_460, %reduce_sum3A_461 [1] : vector<64x64xf32> to vector<64xf32>
    %broadcast_in_dim3A_463 = vector.shape_cast %reduce_sum3A_462 : vector<64xf32> to vector<64x1xf32>
    %div3A_464 = vector.broadcast %broadcast_in_dim3A_463 : vector<64x1xf32> to vector<64x64xf32>
    %div3A_465 = arith.divf %exp3A_460, %div3A_464 : vector<64x64xf32>
    %dot_general3A_466 = arith.constant dense<0.000000e+00> : vector<64x64xf32>
    %dot_general3A_467 = tpu.matmul %div3A_465, %slice3A_68, %dot_general3A_466 {dimension_numbers = #tpu.dot_dimension_numbers<[1], [0], [0], [1], [0, 0, 1, 1], [], []>, transpose_lhs_hint = false} : vector<64x64xf32>, vector<64x64xf32>, vector<64x64xf32> -> vector<64x64xf32>
    %slice3A_468 = vector.extract_strided_slice %dot_general3A_20 {offsets = [0, 832], sizes = [64, 64], strides = [1, 1]} : vector<64x1536xf32> to vector<64x64xf32>
    %slice3A_469 = vector.extract_strided_slice %slice3A_468 {offsets = [0, 0], sizes = [64, 32], strides = [1, 1]} : vector<64x64xf32> to vector<64x32xf32>
    %slice3A_470 = vector.extract_strided_slice %slice3A_468 {offsets = [0, 32], sizes = [64, 32], strides = [1, 1]} : vector<64x64xf32> to vector<64x32xf32>
    %mul3A_471 = arith.mulf %slice3A_469, %get3A_23 : vector<64x32xf32>
    %mul3A_472 = arith.mulf %slice3A_470, %get3A_26 : vector<64x32xf32>
    %sub3A_473 = arith.subf %mul3A_471, %mul3A_472 : vector<64x32xf32>
    %mul3A_474 = arith.mulf %slice3A_469, %get3A_26 : vector<64x32xf32>
    %mul3A_475 = arith.mulf %slice3A_470, %get3A_23 : vector<64x32xf32>
    %add3A_476 = arith.addf %mul3A_474, %mul3A_475 : vector<64x32xf32>
    %concatenate3A_477 = tpu.concatenate %sub3A_473, %add3A_476 in 1 : vector<64x32xf32>, vector<64x32xf32> -> vector<64x64xf32>
    %dot_general3A_478 = arith.constant dense<0.000000e+00> : vector<64x64xf32>
    %dot_general3A_479 = tpu.matmul %concatenate3A_477, %concatenate3A_67, %dot_general3A_478 {dimension_numbers = #tpu.dot_dimension_numbers<[1], [1], [0], [0], [0, 0, 1, 0], [], []>, transpose_lhs_hint = false} : vector<64x64xf32>, vector<64x64xf32>, vector<64x64xf32> -> vector<64x64xf32>
    %mul3A_480 = arith.constant 1.562500e-02 : f32
    %mul3A_481 = vector.broadcast %mul3A_480 : f32 to vector<64x64xf32>
    %mul3A_482 = arith.mulf %dot_general3A_479, %mul3A_481 : vector<64x64xf32>
    %jit3A_483 = arith.constant -1.000000e+30 : f32
    %broadcast_in_dim3A_484 = vector.broadcast %jit3A_483 : f32 to vector<64x64xf32>
    %select_n3A_485 = arith.select %ge3A, %mul3A_482, %broadcast_in_dim3A_484 : vector<64x64xi1>, vector<64x64xf32>
    %reduce_max3A_486 = arith.constant dense<0xFF800000> : vector<64xf32>
    %reduce_max3A_487 = vector.multi_reduction <maximumf>, %select_n3A_485, %reduce_max3A_486 [1] : vector<64x64xf32> to vector<64xf32>
    %broadcast_in_dim3A_488 = vector.shape_cast %reduce_max3A_487 : vector<64xf32> to vector<64x1xf32>
    %sub3A_489 = vector.broadcast %broadcast_in_dim3A_488 : vector<64x1xf32> to vector<64x64xf32>
    %sub3A_490 = arith.subf %select_n3A_485, %sub3A_489 : vector<64x64xf32>
    %exp3A_491 = math.exp %sub3A_490 : vector<64x64xf32>
    %reduce_sum3A_492 = arith.constant dense<0.000000e+00> : vector<64xf32>
    %reduce_sum3A_493 = vector.multi_reduction <add>, %exp3A_491, %reduce_sum3A_492 [1] : vector<64x64xf32> to vector<64xf32>
    %broadcast_in_dim3A_494 = vector.shape_cast %reduce_sum3A_493 : vector<64xf32> to vector<64x1xf32>
    %div3A_495 = vector.broadcast %broadcast_in_dim3A_494 : vector<64x1xf32> to vector<64x64xf32>
    %div3A_496 = arith.divf %exp3A_491, %div3A_495 : vector<64x64xf32>
    %dot_general3A_497 = arith.constant dense<0.000000e+00> : vector<64x64xf32>
    %dot_general3A_498 = tpu.matmul %div3A_496, %slice3A_68, %dot_general3A_497 {dimension_numbers = #tpu.dot_dimension_numbers<[1], [0], [0], [1], [0, 0, 1, 1], [], []>, transpose_lhs_hint = false} : vector<64x64xf32>, vector<64x64xf32>, vector<64x64xf32> -> vector<64x64xf32>
    %slice3A_499 = vector.extract_strided_slice %dot_general3A_20 {offsets = [0, 896], sizes = [64, 64], strides = [1, 1]} : vector<64x1536xf32> to vector<64x64xf32>
    %slice3A_500 = vector.extract_strided_slice %slice3A_499 {offsets = [0, 0], sizes = [64, 32], strides = [1, 1]} : vector<64x64xf32> to vector<64x32xf32>
    %slice3A_501 = vector.extract_strided_slice %slice3A_499 {offsets = [0, 32], sizes = [64, 32], strides = [1, 1]} : vector<64x64xf32> to vector<64x32xf32>
    %mul3A_502 = arith.mulf %slice3A_500, %get3A_23 : vector<64x32xf32>
    %mul3A_503 = arith.mulf %slice3A_501, %get3A_26 : vector<64x32xf32>
    %sub3A_504 = arith.subf %mul3A_502, %mul3A_503 : vector<64x32xf32>
    %mul3A_505 = arith.mulf %slice3A_500, %get3A_26 : vector<64x32xf32>
    %mul3A_506 = arith.mulf %slice3A_501, %get3A_23 : vector<64x32xf32>
    %add3A_507 = arith.addf %mul3A_505, %mul3A_506 : vector<64x32xf32>
    %concatenate3A_508 = tpu.concatenate %sub3A_504, %add3A_507 in 1 : vector<64x32xf32>, vector<64x32xf32> -> vector<64x64xf32>
    %dot_general3A_509 = arith.constant dense<0.000000e+00> : vector<64x64xf32>
    %dot_general3A_510 = tpu.matmul %concatenate3A_508, %concatenate3A_67, %dot_general3A_509 {dimension_numbers = #tpu.dot_dimension_numbers<[1], [1], [0], [0], [0, 0, 1, 0], [], []>, transpose_lhs_hint = false} : vector<64x64xf32>, vector<64x64xf32>, vector<64x64xf32> -> vector<64x64xf32>
    %mul3A_511 = arith.constant 1.562500e-02 : f32
    %mul3A_512 = vector.broadcast %mul3A_511 : f32 to vector<64x64xf32>
    %mul3A_513 = arith.mulf %dot_general3A_510, %mul3A_512 : vector<64x64xf32>
    %jit3A_514 = arith.constant -1.000000e+30 : f32
    %broadcast_in_dim3A_515 = vector.broadcast %jit3A_514 : f32 to vector<64x64xf32>
    %select_n3A_516 = arith.select %ge3A, %mul3A_513, %broadcast_in_dim3A_515 : vector<64x64xi1>, vector<64x64xf32>
    %reduce_max3A_517 = arith.constant dense<0xFF800000> : vector<64xf32>
    %reduce_max3A_518 = vector.multi_reduction <maximumf>, %select_n3A_516, %reduce_max3A_517 [1] : vector<64x64xf32> to vector<64xf32>
    %broadcast_in_dim3A_519 = vector.shape_cast %reduce_max3A_518 : vector<64xf32> to vector<64x1xf32>
    %sub3A_520 = vector.broadcast %broadcast_in_dim3A_519 : vector<64x1xf32> to vector<64x64xf32>
    %sub3A_521 = arith.subf %select_n3A_516, %sub3A_520 : vector<64x64xf32>
    %exp3A_522 = math.exp %sub3A_521 : vector<64x64xf32>
    %reduce_sum3A_523 = arith.constant dense<0.000000e+00> : vector<64xf32>
    %reduce_sum3A_524 = vector.multi_reduction <add>, %exp3A_522, %reduce_sum3A_523 [1] : vector<64x64xf32> to vector<64xf32>
    %broadcast_in_dim3A_525 = vector.shape_cast %reduce_sum3A_524 : vector<64xf32> to vector<64x1xf32>
    %div3A_526 = vector.broadcast %broadcast_in_dim3A_525 : vector<64x1xf32> to vector<64x64xf32>
    %div3A_527 = arith.divf %exp3A_522, %div3A_526 : vector<64x64xf32>
    %dot_general3A_528 = arith.constant dense<0.000000e+00> : vector<64x64xf32>
    %dot_general3A_529 = tpu.matmul %div3A_527, %slice3A_68, %dot_general3A_528 {dimension_numbers = #tpu.dot_dimension_numbers<[1], [0], [0], [1], [0, 0, 1, 1], [], []>, transpose_lhs_hint = false} : vector<64x64xf32>, vector<64x64xf32>, vector<64x64xf32> -> vector<64x64xf32>
    %slice3A_530 = vector.extract_strided_slice %dot_general3A_20 {offsets = [0, 960], sizes = [64, 64], strides = [1, 1]} : vector<64x1536xf32> to vector<64x64xf32>
    %slice3A_531 = vector.extract_strided_slice %slice3A_530 {offsets = [0, 0], sizes = [64, 32], strides = [1, 1]} : vector<64x64xf32> to vector<64x32xf32>
    %slice3A_532 = vector.extract_strided_slice %slice3A_530 {offsets = [0, 32], sizes = [64, 32], strides = [1, 1]} : vector<64x64xf32> to vector<64x32xf32>
    %mul3A_533 = arith.mulf %slice3A_531, %get3A_23 : vector<64x32xf32>
    %mul3A_534 = arith.mulf %slice3A_532, %get3A_26 : vector<64x32xf32>
    %sub3A_535 = arith.subf %mul3A_533, %mul3A_534 : vector<64x32xf32>
    %mul3A_536 = arith.mulf %slice3A_531, %get3A_26 : vector<64x32xf32>
    %mul3A_537 = arith.mulf %slice3A_532, %get3A_23 : vector<64x32xf32>
    %add3A_538 = arith.addf %mul3A_536, %mul3A_537 : vector<64x32xf32>
    %concatenate3A_539 = tpu.concatenate %sub3A_535, %add3A_538 in 1 : vector<64x32xf32>, vector<64x32xf32> -> vector<64x64xf32>
    %dot_general3A_540 = arith.constant dense<0.000000e+00> : vector<64x64xf32>
    %dot_general3A_541 = tpu.matmul %concatenate3A_539, %concatenate3A_67, %dot_general3A_540 {dimension_numbers = #tpu.dot_dimension_numbers<[1], [1], [0], [0], [0, 0, 1, 0], [], []>, transpose_lhs_hint = false} : vector<64x64xf32>, vector<64x64xf32>, vector<64x64xf32> -> vector<64x64xf32>
    %mul3A_542 = arith.constant 1.562500e-02 : f32
    %mul3A_543 = vector.broadcast %mul3A_542 : f32 to vector<64x64xf32>
    %mul3A_544 = arith.mulf %dot_general3A_541, %mul3A_543 : vector<64x64xf32>
    %jit3A_545 = arith.constant -1.000000e+30 : f32
    %broadcast_in_dim3A_546 = vector.broadcast %jit3A_545 : f32 to vector<64x64xf32>
    %select_n3A_547 = arith.select %ge3A, %mul3A_544, %broadcast_in_dim3A_546 : vector<64x64xi1>, vector<64x64xf32>
    %reduce_max3A_548 = arith.constant dense<0xFF800000> : vector<64xf32>
    %reduce_max3A_549 = vector.multi_reduction <maximumf>, %select_n3A_547, %reduce_max3A_548 [1] : vector<64x64xf32> to vector<64xf32>
    %broadcast_in_dim3A_550 = vector.shape_cast %reduce_max3A_549 : vector<64xf32> to vector<64x1xf32>
    %sub3A_551 = vector.broadcast %broadcast_in_dim3A_550 : vector<64x1xf32> to vector<64x64xf32>
    %sub3A_552 = arith.subf %select_n3A_547, %sub3A_551 : vector<64x64xf32>
    %exp3A_553 = math.exp %sub3A_552 : vector<64x64xf32>
    %reduce_sum3A_554 = arith.constant dense<0.000000e+00> : vector<64xf32>
    %reduce_sum3A_555 = vector.multi_reduction <add>, %exp3A_553, %reduce_sum3A_554 [1] : vector<64x64xf32> to vector<64xf32>
    %broadcast_in_dim3A_556 = vector.shape_cast %reduce_sum3A_555 : vector<64xf32> to vector<64x1xf32>
    %div3A_557 = vector.broadcast %broadcast_in_dim3A_556 : vector<64x1xf32> to vector<64x64xf32>
    %div3A_558 = arith.divf %exp3A_553, %div3A_557 : vector<64x64xf32>
    %dot_general3A_559 = arith.constant dense<0.000000e+00> : vector<64x64xf32>
    %dot_general3A_560 = tpu.matmul %div3A_558, %slice3A_68, %dot_general3A_559 {dimension_numbers = #tpu.dot_dimension_numbers<[1], [0], [0], [1], [0, 0, 1, 1], [], []>, transpose_lhs_hint = false} : vector<64x64xf32>, vector<64x64xf32>, vector<64x64xf32> -> vector<64x64xf32>
    %concatenate3A_561 = tpu.concatenate %dot_general3A_95, %dot_general3A_126, %dot_general3A_157, %dot_general3A_188, %dot_general3A_219, %dot_general3A_250, %dot_general3A_281, %dot_general3A_312, %dot_general3A_343, %dot_general3A_374, %dot_general3A_405, %dot_general3A_436, %dot_general3A_467, %dot_general3A_498, %dot_general3A_529, %dot_general3A_560 in 1 : vector<64x64xf32>, vector<64x64xf32>, vector<64x64xf32>, vector<64x64xf32>, vector<64x64xf32>, vector<64x64xf32>, vector<64x64xf32>, vector<64x64xf32>, vector<64x64xf32>, vector<64x64xf32>, vector<64x64xf32>, vector<64x64xf32>, vector<64x64xf32>, vector<64x64xf32>, vector<64x64xf32>, vector<64x64xf32> -> vector<64x1024xf32>
    %get3A_562 = arith.constant 0 : index
    %get3A_563 = arith.constant 0 : index
    %get3A_564 = vector.load %arg3[%get3A_562, %get3A_563] : memref<1024x1024xf32, #tpu.memory_space<vmem>>, vector<1024x1024xf32>
    %dot_general3A_565 = arith.constant dense<0.000000e+00> : vector<64x1024xf32>
    %dot_general3A_566 = tpu.matmul %concatenate3A_561, %get3A_564, %dot_general3A_565 {dimension_numbers = #tpu.dot_dimension_numbers<[1], [0], [0], [1], [0, 0, 1, 1], [], []>, transpose_lhs_hint = false} : vector<64x1024xf32>, vector<1024x1024xf32>, vector<64x1024xf32> -> vector<64x1024xf32>
    %mul3A_567 = arith.constant 2.200000e-01 : f32
    %mul3A_568 = vector.broadcast %mul3A_567 : f32 to vector<64x1024xf32>
    %mul3A_569 = arith.mulf %dot_general3A_566, %mul3A_568 : vector<64x1024xf32>
    %add3A_570 = arith.addf %mul3A_3, %mul3A_569 : vector<64x1024xf32>
    %swap3A = arith.constant 0 : index
    %swap3A_571 = arith.constant 0 : index
    %swap3A_572 = vector.load %arg8[%swap3A, %swap3A_571] : memref<64x1024xf32, #tpu.memory_space<vmem>>, vector<64x1024xf32>
    tpu.vector_store %arg8[%swap3A, %swap3A_571], %add3A_570 {strides = array<i32>} : memref<64x1024xf32, #tpu.memory_space<vmem>>, vector<64x1024xf32>,
    %mul3A_573 = arith.mulf %add3A_570, %add3A_570 : vector<64x1024xf32>
    %reduce_sum3A_574 = arith.constant dense<0.000000e+00> : vector<64xf32>
    %reduce_sum3A_575 = vector.multi_reduction <add>, %mul3A_573, %reduce_sum3A_574 [1] : vector<64x1024xf32> to vector<64xf32>
    %broadcast_in_dim3A_576 = vector.shape_cast %reduce_sum3A_575 : vector<64xf32> to vector<64x1xf32>
    %div3A_577 = arith.constant 1.024000e+03 : f32
    %div3A_578 = vector.broadcast %div3A_577 : f32 to vector<64x1xf32>
    %div3A_579 = arith.divf %broadcast_in_dim3A_576, %div3A_578 : vector<64x1xf32>
    %add3A_580 = arith.constant 9.99999997E-7 : f32
    %add3A_581 = vector.broadcast %add3A_580 : f32 to vector<64x1xf32>
    %add3A_582 = arith.addf %div3A_579, %add3A_581 : vector<64x1xf32>
    %rsqrt3A_583 = math.rsqrt %add3A_582 : vector<64x1xf32>
    %mul3A_584 = vector.broadcast %rsqrt3A_583 : vector<64x1xf32> to vector<64x1024xf32>
    %mul3A_585 = arith.mulf %add3A_570, %mul3A_584 : vector<64x1024xf32>
    %get3A_586 = arith.constant 0 : index
    %get3A_587 = arith.constant 0 : index
    %get3A_588 = vector.load %arg6[%get3A_586, %get3A_587] : memref<1x1024xf32, #tpu.memory_space<vmem>>, vector<1x1024xf32>
    %mul3A_589 = vector.broadcast %get3A_588 : vector<1x1024xf32> to vector<64x1024xf32>
    %mul3A_590 = arith.mulf %mul3A_585, %mul3A_589 : vector<64x1024xf32>
    %swap3A_591 = arith.constant 0 : index
    %swap3A_592 = arith.constant 0 : index
    %swap3A_593 = vector.load %arg9[%swap3A_591, %swap3A_592] : memref<64x1024xf32, #tpu.memory_space<vmem>>, vector<64x1024xf32>
    tpu.vector_store %arg9[%swap3A_591, %swap3A_592], %mul3A_590 {strides = array<i32>} : memref<64x1024xf32, #tpu.memory_space<vmem>>, vector<64x1024xf32>,
    %get3A_594 = arith.constant 0 : index
    %get3A_595 = arith.constant 0 : index
    %get3A_596 = vector.load %arg7[%get3A_594, %get3A_595] : memref<1024x64xf32, #tpu.memory_space<vmem>>, vector<1024x64xf32>
    %dot_general3A_597 = arith.constant dense<0.000000e+00> : vector<64x64xf32>
    %dot_general3A_598 = tpu.matmul %mul3A_590, %get3A_596, %dot_general3A_597 {dimension_numbers = #tpu.dot_dimension_numbers<[1], [0], [0], [1], [0, 0, 1, 1], [], []>, transpose_lhs_hint = false} : vector<64x1024xf32>, vector<1024x64xf32>, vector<64x64xf32> -> vector<64x64xf32>
    %reduce_max3A_599 = arith.constant dense<0xFF800000> : vector<64xf32>
    %reduce_max3A_600 = vector.multi_reduction <maximumf>, %dot_general3A_598, %reduce_max3A_599 [1] : vector<64x64xf32> to vector<64xf32>
    %broadcast_in_dim3A_601 = vector.shape_cast %reduce_max3A_600 : vector<64xf32> to vector<64x1xf32>
    %sub3A_602 = vector.broadcast %broadcast_in_dim3A_601 : vector<64x1xf32> to vector<64x64xf32>
    %sub3A_603 = arith.subf %dot_general3A_598, %sub3A_602 : vector<64x64xf32>
    %exp3A_604 = math.exp %sub3A_603 : vector<64x64xf32>
    %reduce_sum3A_605 = arith.constant dense<0.000000e+00> : vector<64xf32>
    %reduce_sum3A_606 = vector.multi_reduction <add>, %exp3A_604, %reduce_sum3A_605 [1] : vector<64x64xf32> to vector<64xf32>
    %broadcast_in_dim3A_607 = vector.shape_cast %reduce_sum3A_606 : vector<64xf32> to vector<64x1xf32>
    %div3A_608 = vector.broadcast %broadcast_in_dim3A_607 : vector<64x1xf32> to vector<64x64xf32>
    %div3A_609 = arith.divf %exp3A_604, %div3A_608 : vector<64x64xf32>
    %iota3A_610 = tpu.iota {dimensions = array<i32: 1>} : vector<64x64xi32>
    %reduce_max3A_611 = arith.constant dense<0xFF800000> : vector<64xf32>
    %reduce_max3A_612 = vector.multi_reduction <maximumf>, %div3A_609, %reduce_max3A_611 [1] : vector<64x64xf32> to vector<64xf32>
    %broadcast_in_dim3A_613 = vector.shape_cast %reduce_max3A_612 : vector<64xf32> to vector<64x1xf32>
    %eq3A = vector.broadcast %broadcast_in_dim3A_613 : vector<64x1xf32> to vector<64x64xf32>
    %eq3A_614 = arith.cmpf oeq, %div3A_609, %eq3A : vector<64x64xf32>
    %jit3A_615 = arith.constant 64 : i32
    %broadcast_in_dim3A_616 = vector.broadcast %jit3A_615 : i32 to vector<64x64xi32>
    %select_n3A_617 = arith.select %eq3A_614, %iota3A_610, %broadcast_in_dim3A_616 : vector<64x64xi1>, vector<64x64xi32>
    %reduce_min3A = arith.constant dense<2147483647> : vector<64xi32>
    %reduce_min3A_618 = vector.multi_reduction <minsi>, %select_n3A_617, %reduce_min3A [1] : vector<64x64xi32> to vector<64xi32>
    %broadcast_in_dim3A_619 = vector.shape_cast %reduce_min3A_618 : vector<64xi32> to vector<64x1xi32>
    %eq3A_620 = vector.broadcast %broadcast_in_dim3A_619 : vector<64x1xi32> to vector<64x64xi32>
    %eq3A_621 = arith.cmpi eq, %iota3A_610, %eq3A_620 : vector<64x64xi32>
    %jit3A_622 = arith.constant -1.000000e+00 : f32
    %broadcast_in_dim3A_623 = vector.broadcast %jit3A_622 : f32 to vector<64x64xf32>
    %select_n3A_624 = arith.select %eq3A_621, %broadcast_in_dim3A_623, %div3A_609 : vector<64x64xi1>, vector<64x64xf32>
    %reduce_max3A_625 = arith.constant dense<0xFF800000> : vector<64xf32>
    %reduce_max3A_626 = vector.multi_reduction <maximumf>, %select_n3A_624, %reduce_max3A_625 [1] : vector<64x64xf32> to vector<64xf32>
    %broadcast_in_dim3A_627 = vector.shape_cast %reduce_max3A_626 : vector<64xf32> to vector<64x1xf32>
    %eq3A_628 = vector.broadcast %broadcast_in_dim3A_627 : vector<64x1xf32> to vector<64x64xf32>
    %eq3A_629 = arith.cmpf oeq, %select_n3A_624, %eq3A_628 : vector<64x64xf32>
    %jit3A_630 = arith.constant 64 : i32
    %broadcast_in_dim3A_631 = vector.broadcast %jit3A_630 : i32 to vector<64x64xi32>
    %select_n3A_632 = arith.select %eq3A_629, %iota3A_610, %broadcast_in_dim3A_631 : vector<64x64xi1>, vector<64x64xi32>
    %reduce_min3A_633 = arith.constant dense<2147483647> : vector<64xi32>
    %reduce_min3A_634 = vector.multi_reduction <minsi>, %select_n3A_632, %reduce_min3A_633 [1] : vector<64x64xi32> to vector<64xi32>
    %broadcast_in_dim3A_635 = vector.shape_cast %reduce_min3A_634 : vector<64xi32> to vector<64x1xi32>
    %add3A_636 = arith.addf %broadcast_in_dim3A_613, %broadcast_in_dim3A_627 : vector<64x1xf32>
    %eq3A_637 = vector.broadcast %broadcast_in_dim3A_619 : vector<64x1xi32> to vector<64x64xi32>
    %eq3A_638 = arith.cmpi eq, %iota3A_610, %eq3A_637 : vector<64x64xi32>
    %jit3A_639 = arith.constant 0.000000e+00 : f32
    %broadcast_in_dim3A_640 = vector.shape_cast %broadcast_in_dim3A_613 : vector<64x1xf32> to vector<64x1xf32>
    %broadcast_in_dim3A_641 = vector.broadcast %broadcast_in_dim3A_640 : vector<64x1xf32> to vector<64x64xf32>
    %broadcast_in_dim3A_642 = vector.broadcast %jit3A_639 : f32 to vector<64x64xf32>
    %select_n3A_643 = arith.select %eq3A_638, %broadcast_in_dim3A_641, %broadcast_in_dim3A_642 : vector<64x64xi1>, vector<64x64xf32>
    %eq3A_644 = vector.broadcast %broadcast_in_dim3A_635 : vector<64x1xi32> to vector<64x64xi32>
    %eq3A_645 = arith.cmpi eq, %iota3A_610, %eq3A_644 : vector<64x64xi32>
    %jit3A_646 = arith.constant 0.000000e+00 : f32
    %broadcast_in_dim3A_647 = vector.shape_cast %broadcast_in_dim3A_627 : vector<64x1xf32> to vector<64x1xf32>
    %broadcast_in_dim3A_648 = vector.broadcast %broadcast_in_dim3A_647 : vector<64x1xf32> to vector<64x64xf32>
    %broadcast_in_dim3A_649 = vector.broadcast %jit3A_646 : f32 to vector<64x64xf32>
    %select_n3A_650 = arith.select %eq3A_645, %broadcast_in_dim3A_648, %broadcast_in_dim3A_649 : vector<64x64xi1>, vector<64x64xf32>
    %add3A_651 = arith.addf %select_n3A_643, %select_n3A_650 : vector<64x64xf32>
    %div3A_652 = vector.broadcast %add3A_636 : vector<64x1xf32> to vector<64x64xf32>
    %div3A_653 = arith.divf %add3A_651, %div3A_652 : vector<64x64xf32>
    %eq3A_654 = vector.broadcast %broadcast_in_dim3A_619 : vector<64x1xi32> to vector<64x64xi32>
    %eq3A_655 = arith.cmpi eq, %iota3A_610, %eq3A_654 : vector<64x64xi32>
    %eq3A_656 = vector.broadcast %broadcast_in_dim3A_635 : vector<64x1xi32> to vector<64x64xi32>
    %eq3A_657 = arith.cmpi eq, %iota3A_610, %eq3A_656 : vector<64x64xi32>
    %or3A = arith.ori %eq3A_655, %eq3A_657 : vector<64x64xi1>
    %jit3A_658 = arith.constant 1.000000e+00 : f32
    %jit3A_659 = arith.constant 0.000000e+00 : f32
    %broadcast_in_dim3A_660 = vector.broadcast %jit3A_658 : f32 to vector<64x64xf32>
    %broadcast_in_dim3A_661 = vector.broadcast %jit3A_659 : f32 to vector<64x64xf32>
    %select_n3A_662 = arith.select %or3A, %broadcast_in_dim3A_660, %broadcast_in_dim3A_661 : vector<64x64xi1>, vector<64x64xf32>
    %reduce_max3A_663 = arith.constant dense<0xFF800000> : vector<64xf32>
    %reduce_max3A_664 = vector.multi_reduction <maximumf>, %select_n3A_662, %reduce_max3A_663 [0] : vector<64x64xf32> to vector<64xf32>
    %broadcast_in_dim3A_665 = vector.shape_cast %reduce_max3A_664 : vector<64xf32> to vector<1x64xf32>
    %iota3A_666 = tpu.iota {dimensions = array<i32: 0>} : vector<64x64xi32>
    %iota3A_667 = tpu.iota {dimensions = array<i32: 1>} : vector<64x64xi32>
    %convert_element_type3A = arith.sitofp %iota3A_666 : vector<64x64xi32> to vector<64x64xf32>
    %convert_element_type3A_668 = arith.sitofp %iota3A_667 : vector<64x64xi32> to vector<64x64xf32>
    %le3A = arith.cmpi sle, %iota3A_666, %iota3A_667 : vector<64x64xi32>
    %jit3A_669 = arith.constant 1.000000e+00 : f32
    %jit3A_670 = arith.constant 0.000000e+00 : f32
    %broadcast_in_dim3A_671 = vector.broadcast %jit3A_669 : f32 to vector<64x64xf32>
    %broadcast_in_dim3A_672 = vector.broadcast %jit3A_670 : f32 to vector<64x64xf32>
    %select_n3A_673 = arith.select %le3A, %broadcast_in_dim3A_671, %broadcast_in_dim3A_672 : vector<64x64xi1>, vector<64x64xf32>
    %dot_general3A_674 = arith.constant dense<0.000000e+00> : vector<1x64xf32>
    %dot_general3A_675 = tpu.matmul %broadcast_in_dim3A_665, %select_n3A_673, %dot_general3A_674 {dimension_numbers = #tpu.dot_dimension_numbers<[1], [0], [0], [1], [0, 0, 1, 1], [], []>, transpose_lhs_hint = false} : vector<1x64xf32>, vector<64x64xf32>, vector<1x64xf32> -> vector<1x64xf32>
    %slice3A_676 = vector.extract_strided_slice %dot_general3A_675 {offsets = [0, 63], sizes = [1, 1], strides = [1, 1]} : vector<1x64xf32> to vector<1x1xf32>
    %sub3A_677 = arith.subf %dot_general3A_675, %broadcast_in_dim3A_665 : vector<1x64xf32>
    %eq3A_678 = vector.broadcast %sub3A_677 : vector<1x64xf32> to vector<64x64xf32>
    %eq3A_679 = arith.cmpf oeq, %convert_element_type3A, %eq3A_678 : vector<64x64xf32>
    %eq3A_680 = arith.constant 1.000000e+00 : f32
    %eq3A_681 = vector.broadcast %eq3A_680 : f32 to vector<1x64xf32>
    %eq3A_682 = arith.cmpf oeq, %broadcast_in_dim3A_665, %eq3A_681 : vector<1x64xf32>
    %and3A = vector.broadcast %eq3A_682 : vector<1x64xi1> to vector<64x64xi1>
    %and3A_683 = arith.andi %eq3A_679, %and3A : vector<64x64xi1>
    %jit3A_684 = arith.constant 1.000000e+00 : f32
    %jit3A_685 = arith.constant 0.000000e+00 : f32
    %broadcast_in_dim3A_686 = vector.broadcast %jit3A_684 : f32 to vector<64x64xf32>
    %broadcast_in_dim3A_687 = vector.broadcast %jit3A_685 : f32 to vector<64x64xf32>
    %select_n3A_688 = arith.select %and3A_683, %broadcast_in_dim3A_686, %broadcast_in_dim3A_687 : vector<64x64xi1>, vector<64x64xf32>
    %eq3A_689 = arith.constant 1.000000e+00 : f32
    %eq3A_690 = vector.broadcast %eq3A_689 : f32 to vector<64x64xf32>
    %eq3A_691 = arith.cmpf oeq, %select_n3A_688, %eq3A_690 : vector<64x64xf32>
    %jit3A_692 = arith.constant -1.000000e+00 : f32
    %broadcast_in_dim3A_693 = vector.broadcast %jit3A_692 : f32 to vector<64x64xf32>
    %select_n3A_694 = arith.select %eq3A_691, %convert_element_type3A_668, %broadcast_in_dim3A_693 : vector<64x64xi1>, vector<64x64xf32>
    %reduce_max3A_695 = arith.constant dense<0xFF800000> : vector<64xf32>
    %reduce_max3A_696 = vector.multi_reduction <maximumf>, %select_n3A_694, %reduce_max3A_695 [1] : vector<64x64xf32> to vector<64xf32>
    %broadcast_in_dim3A_697 = vector.shape_cast %reduce_max3A_696 : vector<64xf32> to vector<64x1xf32>
    %iota3A_698 = tpu.iota {dimensions = array<i32: 1>} : vector<1x64xi32>
    %convert_element_type3A_699 = arith.sitofp %iota3A_698 : vector<1x64xi32> to vector<1x64xf32>
    %eq3A_700 = arith.constant 1.000000e+00 : f32
    %eq3A_701 = vector.broadcast %eq3A_700 : f32 to vector<1x64xf32>
    %eq3A_702 = arith.cmpf oeq, %broadcast_in_dim3A_665, %eq3A_701 : vector<1x64xf32>
    %jit3A_703 = arith.constant -1.000000e+00 : f32
    %broadcast_in_dim3A_704 = vector.broadcast %jit3A_703 : f32 to vector<1x64xf32>
    %select_n3A_705 = arith.select %eq3A_702, %convert_element_type3A_699, %broadcast_in_dim3A_704 : vector<1x64xi1>, vector<1x64xf32>
    %reduce_max3A_706 = arith.constant dense<0xFF800000> : vector<1xf32>
    %reduce_max3A_707 = vector.multi_reduction <maximumf>, %select_n3A_705, %reduce_max3A_706 [1] : vector<1x64xf32> to vector<1xf32>
    %broadcast_in_dim3A_708 = vector.shape_cast %reduce_max3A_707 : vector<1xf32> to vector<1x1xf32>
    %iota3A_709 = tpu.iota {dimensions = array<i32: 0>} : vector<64x1xi32>
    %convert_element_type3A_710 = arith.sitofp %iota3A_709 : vector<64x1xi32> to vector<64x1xf32>
    %lt3A = vector.broadcast %slice3A_676 : vector<1x1xf32> to vector<64x1xf32>
    %lt3A_711 = arith.cmpf olt, %convert_element_type3A_710, %lt3A : vector<64x1xf32>
    %broadcast_in_dim3A_712 = vector.shape_cast %broadcast_in_dim3A_708 : vector<1x1xf32> to vector<1x1xf32>
    %broadcast_in_dim3A_713 = vector.broadcast %broadcast_in_dim3A_712 : vector<1x1xf32> to vector<64x1xf32>
    %select_n3A_714 = arith.select %lt3A_711, %broadcast_in_dim3A_697, %broadcast_in_dim3A_713 : vector<64x1xi1>, vector<64x1xf32>
    %swap3A_715 = arith.constant 0 : index
    %swap3A_716 = arith.constant 0 : index
    %swap3A_717 = vector.load %arg11[%swap3A_715, %swap3A_716] : memref<64x1xf32, #tpu.memory_space<vmem>>, vector<64x1xf32>
    tpu.vector_store %arg11[%swap3A_715, %swap3A_716], %select_n3A_714 {strides = array<i32>} : memref<64x1xf32, #tpu.memory_space<vmem>>, vector<64x1xf32>,
    %dot_general3A_718 = arith.constant dense<0.000000e+00> : vector<64x64xf32>
    %dot_general3A_719 = tpu.matmul %select_n3A_688, %div3A_653, %dot_general3A_718 {dimension_numbers = #tpu.dot_dimension_numbers<[1], [1], [0], [0], [0, 0, 1, 0], [], []>, transpose_lhs_hint = false} : vector<64x64xf32>, vector<64x64xf32>, vector<64x64xf32> -> vector<64x64xf32>
    %swap3A_720 = arith.constant 0 : index
    %swap3A_721 = arith.constant 0 : index
    %swap3A_722 = vector.load %arg10[%swap3A_720, %swap3A_721] : memref<64x64xf32, #tpu.memory_space<vmem>>, vector<64x64xf32>
    tpu.vector_store %arg10[%swap3A_720, %swap3A_721], %dot_general3A_719 {strides = array<i32>} : memref<64x64xf32, #tpu.memory_space<vmem>>, vector<64x64xf32>,
    return
  }
}

module attributes {stable_mosaic.version = 14 : i64} {
  func.func @_attn_body(%arg0: memref<64x1024xf32, #tpu.memory_space<vmem>>, %arg1: memref<1x1024xf32, #tpu.memory_space<vmem>>, %arg2: memref<1024x1536xf32, #tpu.memory_space<vmem>>, %arg3: memref<1024x1024xf32, #tpu.memory_space<vmem>>, %arg4: memref<64x32xf32, #tpu.memory_space<vmem>>, %arg5: memref<64x32xf32, #tpu.memory_space<vmem>>, %arg6: memref<1x1024xf32, #tpu.memory_space<vmem>>, %arg7: memref<1024x64xf32, #tpu.memory_space<vmem>>, %arg8: memref<64x1024xf32, #tpu.memory_space<vmem>>, %arg9: memref<64x1024xf32, #tpu.memory_space<vmem>>, %arg10: memref<64x64xf32, #tpu.memory_space<vmem>>, %arg11: memref<64x1xf32, #tpu.memory_space<vmem>>) attributes {dimension_semantics = [], scalar_prefetch = 0 : i64, scratch_operands = 0 : i64, tpu.core_type = #tpu.core_type<tc>} {
    %get3A = arith.constant 0 : index
    %get3A_0 = arith.constant 0 : index
    %get3A_1 = vector.load %arg0[%get3A, %get3A_0] : memref<64x1024xf32, #tpu.memory_space<vmem>>, vector<64x1024xf32>
    %mul3A = arith.constant 1.000000e+00 : f32
    %mul3A_2 = vector.broadcast %mul3A : f32 to vector<64x1024xf32>
    %mul3A_3 = arith.mulf %get3A_1, %mul3A_2 : vector<64x1024xf32>
    %mul3A_4 = arith.mulf %mul3A_3, %mul3A_3 : vector<64x1024xf32>
    %reduce_sum3A = arith.constant dense<0.000000e+00> : vector<64xf32>
    %reduce_sum3A_5 = vector.multi_reduction <add>, %mul3A_4, %reduce_sum3A [1] : vector<64x1024xf32> to vector<64xf32>
    %broadcast_in_dim3A = vector.shape_cast %reduce_sum3A_5 : vector<64xf32> to vector<64x1xf32>
    %div3A = arith.constant 1.024000e+03 : f32
    %div3A_6 = vector.broadcast %div3A : f32 to vector<64x1xf32>
    %div3A_7 = arith.divf %broadcast_in_dim3A, %div3A_6 : vector<64x1xf32>
    %add3A = arith.constant 9.99999997E-7 : f32
    %add3A_8 = vector.broadcast %add3A : f32 to vector<64x1xf32>
    %add3A_9 = arith.addf %div3A_7, %add3A_8 : vector<64x1xf32>
    %rsqrt3A = math.rsqrt %add3A_9 : vector<64x1xf32>
    %mul3A_10 = vector.broadcast %rsqrt3A : vector<64x1xf32> to vector<64x1024xf32>
    %mul3A_11 = arith.mulf %mul3A_3, %mul3A_10 : vector<64x1024xf32>
    %get3A_12 = arith.constant 0 : index
    %get3A_13 = arith.constant 0 : index
    %get3A_14 = vector.load %arg1[%get3A_12, %get3A_13] : memref<1x1024xf32, #tpu.memory_space<vmem>>, vector<1x1024xf32>
    %mul3A_15 = vector.broadcast %get3A_14 : vector<1x1024xf32> to vector<64x1024xf32>
    %mul3A_16 = arith.mulf %mul3A_11, %mul3A_15 : vector<64x1024xf32>
    %get3A_17 = arith.constant 0 : index
    %get3A_18 = arith.constant 0 : index
    %get3A_19 = vector.load %arg2[%get3A_17, %get3A_18] : memref<1024x1536xf32, #tpu.memory_space<vmem>>, vector<1024x1536xf32>
    %dot_general3A = arith.constant dense<0.000000e+00> : vector<64x1536xf32>
    %dot_general3A_20 = tpu.matmul %mul3A_16, %get3A_19, %dot_general3A {dimension_numbers = #tpu.dot_dimension_numbers<[1], [0], [0], [1], [0, 0, 1, 1], [], []>, transpose_lhs_hint = false} : vector<64x1024xf32>, vector<1024x1536xf32>, vector<64x1536xf32> -> vector<64x1536xf32>
    %get3A_21 = arith.constant 0 : index
    %get3A_22 = arith.constant 0 : index
    %get3A_23 = vector.load %arg4[%get3A_21, %get3A_22] : memref<64x32xf32, #tpu.memory_space<vmem>>, vector<64x32xf32>
    %get3A_24 = arith.constant 0 : index
    %get3A_25 = arith.constant 0 : index
    %get3A_26 = vector.load %arg5[%get3A_24, %get3A_25] : memref<64x32xf32, #tpu.memory_space<vmem>>, vector<64x32xf32>
    %iota3A = tpu.iota {dimensions = array<i32: 0>} : vector<64x64xi32>
    %iota3A_27 = tpu.iota {dimensions = array<i32: 1>} : vector<64x64xi32>
    %ge3A = arith.cmpi sge, %iota3A, %iota3A_27 : vector<64x64xi32>
    %slice3A = vector.extract_strided_slice %dot_general3A_20 {offsets = [0, 1024], sizes = [64, 64], strides = [1, 1]} : vector<64x1536xf32> to vector<64x64xf32>
    %slice3A_28 = vector.extract_strided_slice %slice3A {offsets = [0, 0], sizes = [64, 32], strides = [1, 1]} : vector<64x64xf32> to vector<64x32xf32>
    %slice3A_29 = vector.extract_strided_slice %slice3A {offsets = [0, 32], sizes = [64, 32], strides = [1, 1]} : vector<64x64xf32> to vector<64x32xf32>
    %mul3A_30 = arith.mulf %slice3A_28, %get3A_23 : vector<64x32xf32>
    %mul3A_31 = arith.mulf %slice3A_29, %get3A_26 : vector<64x32xf32>
    %sub3A = arith.subf %mul3A_30, %mul3A_31 : vector<64x32xf32>
    %mul3A_32 = arith.mulf %slice3A_28, %get3A_26 : vector<64x32xf32>
    %mul3A_33 = arith.mulf %slice3A_29, %get3A_23 : vector<64x32xf32>
    %add3A_34 = arith.addf %mul3A_32, %mul3A_33 : vector<64x32xf32>
    %concatenate3A = tpu.concatenate %sub3A, %add3A_34 in 1 : vector<64x32xf32>, vector<64x32xf32> -> vector<64x64xf32>
    %slice3A_35 = vector.extract_strided_slice %dot_general3A_20 {offsets = [0, 1280], sizes = [64, 64], strides = [1, 1]} : vector<64x1536xf32> to vector<64x64xf32>
    %slice3A_36 = vector.extract_strided_slice %dot_general3A_20 {offsets = [0, 1088], sizes = [64, 64], strides = [1, 1]} : vector<64x1536xf32> to vector<64x64xf32>
    %slice3A_37 = vector.extract_strided_slice %slice3A_36 {offsets = [0, 0], sizes = [64, 32], strides = [1, 1]} : vector<64x64xf32> to vector<64x32xf32>
    %slice3A_38 = vector.extract_strided_slice %slice3A_36 {offsets = [0, 32], sizes = [64, 32], strides = [1, 1]} : vector<64x64xf32> to vector<64x32xf32>
    %mul3A_39 = arith.mulf %slice3A_37, %get3A_23 : vector<64x32xf32>
    %mul3A_40 = arith.mulf %slice3A_38, %get3A_26 : vector<64x32xf32>
    %sub3A_41 = arith.subf %mul3A_39, %mul3A_40 : vector<64x32xf32>
    %mul3A_42 = arith.mulf %slice3A_37, %get3A_26 : vector<64x32xf32>
    %mul3A_43 = arith.mulf %slice3A_38, %get3A_23 : vector<64x32xf32>
    %add3A_44 = arith.addf %mul3A_42, %mul3A_43 : vector<64x32xf32>
    %concatenate3A_45 = tpu.concatenate %sub3A_41, %add3A_44 in 1 : vector<64x32xf32>, vector<64x32xf32> -> vector<64x64xf32>
    %slice3A_46 = vector.extract_strided_slice %dot_general3A_20 {offsets = [0, 1344], sizes = [64, 64], strides = [1, 1]} : vector<64x1536xf32> to vector<64x64xf32>
    %slice3A_47 = vector.extract_strided_slice %dot_general3A_20 {offsets = [0, 1152], sizes = [64, 64], strides = [1, 1]} : vector<64x1536xf32> to vector<64x64xf32>
    %slice3A_48 = vector.extract_strided_slice %slice3A_47 {offsets = [0, 0], sizes = [64, 32], strides = [1, 1]} : vector<64x64xf32> to vector<64x32xf32>
    %slice3A_49 = vector.extract_strided_slice %slice3A_47 {offsets = [0, 32], sizes = [64, 32], strides = [1, 1]} : vector<64x64xf32> to vector<64x32xf32>
    %mul3A_50 = arith.mulf %slice3A_48, %get3A_23 : vector<64x32xf32>
    %mul3A_51 = arith.mulf %slice3A_49, %get3A_26 : vector<64x32xf32>
    %sub3A_52 = arith.subf %mul3A_50, %mul3A_51 : vector<64x32xf32>
    %mul3A_53 = arith.mulf %slice3A_48, %get3A_26 : vector<64x32xf32>
    %mul3A_54 = arith.mulf %slice3A_49, %get3A_23 : vector<64x32xf32>
    %add3A_55 = arith.addf %mul3A_53, %mul3A_54 : vector<64x32xf32>
    %concatenate3A_56 = tpu.concatenate %sub3A_52, %add3A_55 in 1 : vector<64x32xf32>, vector<64x32xf32> -> vector<64x64xf32>
    %slice3A_57 = vector.extract_strided_slice %dot_general3A_20 {offsets = [0, 1408], sizes = [64, 64], strides = [1, 1]} : vector<64x1536xf32> to vector<64x64xf32>
    %slice3A_58 = vector.extract_strided_slice %dot_general3A_20 {offsets = [0, 1216], sizes = [64, 64], strides = [1, 1]} : vector<64x1536xf32> to vector<64x64xf32>
    %slice3A_59 = vector.extract_strided_slice %slice3A_58 {offsets = [0, 0], sizes = [64, 32], strides = [1, 1]} : vector<64x64xf32> to vector<64x32xf32>
    %slice3A_60 = vector.extract_strided_slice %slice3A_58 {offsets = [0, 32], sizes = [64, 32], strides = [1, 1]} : vector<64x64xf32> to vector<64x32xf32>
    %mul3A_61 = arith.mulf %slice3A_59, %get3A_23 : vector<64x32xf32>
    %mul3A_62 = arith.mulf %slice3A_60, %get3A_26 : vector<64x32xf32>
    %sub3A_63 = arith.subf %mul3A_61, %mul3A_62 : vector<64x32xf32>
    %mul3A_64 = arith.mulf %slice3A_59, %get3A_26 : vector<64x32xf32>
    %mul3A_65 = arith.mulf %slice3A_60, %get3A_23 : vector<64x32xf32>
    %add3A_66 = arith.addf %mul3A_64, %mul3A_65 : vector<64x32xf32>
    %concatenate3A_67 = tpu.concatenate %sub3A_63, %add3A_66 in 1 : vector<64x32xf32>, vector<64x32xf32> -> vector<64x64xf32>
    %slice3A_68 = vector.extract_strided_slice %dot_general3A_20 {offsets = [0, 1472], sizes = [64, 64], strides = [1, 1]} : vector<64x1536xf32> to vector<64x64xf32>
    %slice3A_69 = vector.extract_strided_slice %dot_general3A_20 {offsets = [0, 0], sizes = [64, 64], strides = [1, 1]} : vector<64x1536xf32> to vector<64x64xf32>
    %slice3A_70 = vector.extract_strided_slice %slice3A_69 {offsets = [0, 0], sizes = [64, 32], strides = [1, 1]} : vector<64x64xf32> to vector<64x32xf32>
    %slice3A_71 = vector.extract_strided_slice %slice3A_69 {offsets = [0, 32], sizes = [64, 32], strides = [1, 1]} : vector<64x64xf32> to vector<64x32xf32>
    %mul3A_72 = arith.mulf %slice3A_70, %get3A_23 : vector<64x32xf32>
    %mul3A_73 = arith.mulf %slice3A_71, %get3A_26 : vector<64x32xf32>
    %sub3A_74 = arith.subf %mul3A_72, %mul3A_73 : vector<64x32xf32>
    %mul3A_75 = arith.mulf %slice3A_70, %get3A_26 : vector<64x32xf32>
    %mul3A_76 = arith.mulf %slice3A_71, %get3A_23 : vector<64x32xf32>
    %add3A_77 = arith.addf %mul3A_75, %mul3A_76 : vector<64x32xf32>
    %concatenate3A_78 = tpu.concatenate %sub3A_74, %add3A_77 in 1 : vector<64x32xf32>, vector<64x32xf32> -> vector<64x64xf32>
    %dot_general3A_79 = arith.constant dense<0.000000e+00> : vector<64x64xf32>
    %dot_general3A_80 = tpu.matmul %concatenate3A_78, %concatenate3A, %dot_general3A_79 {dimension_numbers = #tpu.dot_dimension_numbers<[1], [1], [0], [0], [0, 0, 1, 0], [], []>, transpose_lhs_hint = false} : vector<64x64xf32>, vector<64x64xf32>, vector<64x64xf32> -> vector<64x64xf32>
    %mul3A_81 = arith.constant 1.562500e-02 : f32
    %mul3A_82 = vector.broadcast %mul3A_81 : f32 to vector<64x64xf32>
    %mul3A_83 = arith.mulf %dot_general3A_80, %mul3A_82 : vector<64x64xf32>
    %jit3A = arith.constant -1.000000e+30 : f32
    %broadcast_in_dim3A_84 = vector.broadcast %jit3A : f32 to vector<64x64xf32>
    %select_n3A = arith.select %ge3A, %mul3A_83, %broadcast_in_dim3A_84 : vector<64x64xi1>, vector<64x64xf32>
    %reduce_max3A = arith.constant dense<0xFF800000> : vector<64xf32>
    %reduce_max3A_85 = vector.multi_reduction <maximumf>, %select_n3A, %reduce_max3A [1] : vector<64x64xf32> to vector<64xf32>
    %broadcast_in_dim3A_86 = vector.shape_cast %reduce_max3A_85 : vector<64xf32> to vector<64x1xf32>
    %sub3A_87 = vector.broadcast %broadcast_in_dim3A_86 : vector<64x1xf32> to vector<64x64xf32>
    %sub3A_88 = arith.subf %select_n3A, %sub3A_87 : vector<64x64xf32>
    %exp3A = math.exp %sub3A_88 : vector<64x64xf32>
    %reduce_sum3A_89 = arith.constant dense<0.000000e+00> : vector<64xf32>
    %reduce_sum3A_90 = vector.multi_reduction <add>, %exp3A, %reduce_sum3A_89 [1] : vector<64x64xf32> to vector<64xf32>
    %broadcast_in_dim3A_91 = vector.shape_cast %reduce_sum3A_90 : vector<64xf32> to vector<64x1xf32>
    %div3A_92 = vector.broadcast %broadcast_in_dim3A_91 : vector<64x1xf32> to vector<64x64xf32>
    %div3A_93 = arith.divf %exp3A, %div3A_92 : vector<64x64xf32>
    %dot_general3A_94 = arith.constant dense<0.000000e+00> : vector<64x64xf32>
    %dot_general3A_95 = tpu.matmul %div3A_93, %slice3A_35, %dot_general3A_94 {dimension_numbers = #tpu.dot_dimension_numbers<[1], [0], [0], [1], [0, 0, 1, 1], [], []>, transpose_lhs_hint = false} : vector<64x64xf32>, vector<64x64xf32>, vector<64x64xf32> -> vector<64x64xf32>
    %slice3A_96 = vector.extract_strided_slice %dot_general3A_20 {offsets = [0, 64], sizes = [64, 64], strides = [1, 1]} : vector<64x1536xf32> to vector<64x64xf32>
    %slice3A_97 = vector.extract_strided_slice %slice3A_96 {offsets = [0, 0], sizes = [64, 32], strides = [1, 1]} : vector<64x64xf32> to vector<64x32xf32>
    %slice3A_98 = vector.extract_strided_slice %slice3A_96 {offsets = [0, 32], sizes = [64, 32], strides = [1, 1]} : vector<64x64xf32> to vector<64x32xf32>
    %mul3A_99 = arith.mulf %slice3A_97, %get3A_23 : vector<64x32xf32>
    %mul3A_100 = arith.mulf %slice3A_98, %get3A_26 : vector<64x32xf32>
    %sub3A_101 = arith.subf %mul3A_99, %mul3A_100 : vector<64x32xf32>
    %mul3A_102 = arith.mulf %slice3A_97, %get3A_26 : vector<64x32xf32>
    %mul3A_103 = arith.mulf %slice3A_98, %get3A_23 : vector<64x32xf32>
    %add3A_104 = arith.addf %mul3A_102, %mul3A_103 : vector<64x32xf32>
    %concatenate3A_105 = tpu.concatenate %sub3A_101, %add3A_104 in 1 : vector<64x32xf32>, vector<64x32xf32> -> vector<64x64xf32>
    %dot_general3A_106 = arith.constant dense<0.000000e+00> : vector<64x64xf32>
    %dot_general3A_107 = tpu.matmul %concatenate3A_105, %concatenate3A, %dot_general3A_106 {dimension_numbers = #tpu.dot_dimension_numbers<[1], [1], [0], [0], [0, 0, 1, 0], [], []>, transpose_lhs_hint = false} : vector<64x64xf32>, vector<64x64xf32>, vector<64x64xf32> -> vector<64x64xf32>
    %mul3A_108 = arith.constant 1.562500e-02 : f32
    %mul3A_109 = vector.broadcast %mul3A_108 : f32 to vector<64x64xf32>
    %mul3A_110 = arith.mulf %dot_general3A_107, %mul3A_109 : vector<64x64xf32>
    %jit3A_111 = arith.constant -1.000000e+30 : f32
    %broadcast_in_dim3A_112 = vector.broadcast %jit3A_111 : f32 to vector<64x64xf32>
    %select_n3A_113 = arith.select %ge3A, %mul3A_110, %broadcast_in_dim3A_112 : vector<64x64xi1>, vector<64x64xf32>
    %reduce_max3A_114 = arith.constant dense<0xFF800000> : vector<64xf32>
    %reduce_max3A_115 = vector.multi_reduction <maximumf>, %select_n3A_113, %reduce_max3A_114 [1] : vector<64x64xf32> to vector<64xf32>
    %broadcast_in_dim3A_116 = vector.shape_cast %reduce_max3A_115 : vector<64xf32> to vector<64x1xf32>
    %sub3A_117 = vector.broadcast %broadcast_in_dim3A_116 : vector<64x1xf32> to vector<64x64xf32>
    %sub3A_118 = arith.subf %select_n3A_113, %sub3A_117 : vector<64x64xf32>
    %exp3A_119 = math.exp %sub3A_118 : vector<64x64xf32>
    %reduce_sum3A_120 = arith.constant dense<0.000000e+00> : vector<64xf32>
    %reduce_sum3A_121 = vector.multi_reduction <add>, %exp3A_119, %reduce_sum3A_120 [1] : vector<64x64xf32> to vector<64xf32>
    %broadcast_in_dim3A_122 = vector.shape_cast %reduce_sum3A_121 : vector<64xf32> to vector<64x1xf32>
    %div3A_123 = vector.broadcast %broadcast_in_dim3A_122 : vector<64x1xf32> to vector<64x64xf32>
    %div3A_124 = arith.divf %exp3A_119, %div3A_123 : vector<64x64xf32>
    %dot_general3A_125 = arith.constant dense<0.000000e+00> : vector<64x64xf32>
    %dot_general3A_126 = tpu.matmul %div3A_124, %slice3A_35, %dot_general3A_125 {dimension_numbers = #tpu.dot_dimension_numbers<[1], [0], [0], [1], [0, 0, 1, 1], [], []>, transpose_lhs_hint = false} : vector<64x64xf32>, vector<64x64xf32>, vector<64x64xf32> -> vector<64x64xf32>
    %slice3A_127 = vector.extract_strided_slice %dot_general3A_20 {offsets = [0, 128], sizes = [64, 64], strides = [1, 1]} : vector<64x1536xf32> to vector<64x64xf32>
    %slice3A_128 = vector.extract_strided_slice %slice3A_127 {offsets = [0, 0], sizes = [64, 32], strides = [1, 1]} : vector<64x64xf32> to vector<64x32xf32>
    %slice3A_129 = vector.extract_strided_slice %slice3A_127 {offsets = [0, 32], sizes = [64, 32], strides = [1, 1]} : vector<64x64xf32> to vector<64x32xf32>
    %mul3A_130 = arith.mulf %slice3A_128, %get3A_23 : vector<64x32xf32>
    %mul3A_131 = arith.mulf %slice3A_129, %get3A_26 : vector<64x32xf32>
    %sub3A_132 = arith.subf %mul3A_130, %mul3A_131 : vector<64x32xf32>
    %mul3A_133 = arith.mulf %slice3A_128, %get3A_26 : vector<64x32xf32>
    %mul3A_134 = arith.mulf %slice3A_129, %get3A_23 : vector<64x32xf32>
    %add3A_135 = arith.addf %mul3A_133, %mul3A_134 : vector<64x32xf32>
    %concatenate3A_136 = tpu.concatenate %sub3A_132, %add3A_135 in 1 : vector<64x32xf32>, vector<64x32xf32> -> vector<64x64xf32>
    %dot_general3A_137 = arith.constant dense<0.000000e+00> : vector<64x64xf32>
    %dot_general3A_138 = tpu.matmul %concatenate3A_136, %concatenate3A, %dot_general3A_137 {dimension_numbers = #tpu.dot_dimension_numbers<[1], [1], [0], [0], [0, 0, 1, 0], [], []>, transpose_lhs_hint = false} : vector<64x64xf32>, vector<64x64xf32>, vector<64x64xf32> -> vector<64x64xf32>
    %mul3A_139 = arith.constant 1.562500e-02 : f32
    %mul3A_140 = vector.broadcast %mul3A_139 : f32 to vector<64x64xf32>
    %mul3A_141 = arith.mulf %dot_general3A_138, %mul3A_140 : vector<64x64xf32>
    %jit3A_142 = arith.constant -1.000000e+30 : f32
    %broadcast_in_dim3A_143 = vector.broadcast %jit3A_142 : f32 to vector<64x64xf32>
    %select_n3A_144 = arith.select %ge3A, %mul3A_141, %broadcast_in_dim3A_143 : vector<64x64xi1>, vector<64x64xf32>
    %reduce_max3A_145 = arith.constant dense<0xFF800000> : vector<64xf32>
    %reduce_max3A_146 = vector.multi_reduction <maximumf>, %select_n3A_144, %reduce_max3A_145 [1] : vector<64x64xf32> to vector<64xf32>
    %broadcast_in_dim3A_147 = vector.shape_cast %reduce_max3A_146 : vector<64xf32> to vector<64x1xf32>
    %sub3A_148 = vector.broadcast %broadcast_in_dim3A_147 : vector<64x1xf32> to vector<64x64xf32>
    %sub3A_149 = arith.subf %select_n3A_144, %sub3A_148 : vector<64x64xf32>
    %exp3A_150 = math.exp %sub3A_149 : vector<64x64xf32>
    %reduce_sum3A_151 = arith.constant dense<0.000000e+00> : vector<64xf32>
    %reduce_sum3A_152 = vector.multi_reduction <add>, %exp3A_150, %reduce_sum3A_151 [1] : vector<64x64xf32> to vector<64xf32>
    %broadcast_in_dim3A_153 = vector.shape_cast %reduce_sum3A_152 : vector<64xf32> to vector<64x1xf32>
    %div3A_154 = vector.broadcast %broadcast_in_dim3A_153 : vector<64x1xf32> to vector<64x64xf32>
    %div3A_155 = arith.divf %exp3A_150, %div3A_154 : vector<64x64xf32>
    %dot_general3A_156 = arith.constant dense<0.000000e+00> : vector<64x64xf32>
    %dot_general3A_157 = tpu.matmul %div3A_155, %slice3A_35, %dot_general3A_156 {dimension_numbers = #tpu.dot_dimension_numbers<[1], [0], [0], [1], [0, 0, 1, 1], [], []>, transpose_lhs_hint = false} : vector<64x64xf32>, vector<64x64xf32>, vector<64x64xf32> -> vector<64x64xf32>
    %slice3A_158 = vector.extract_strided_slice %dot_general3A_20 {offsets = [0, 192], sizes = [64, 64], strides = [1, 1]} : vector<64x1536xf32> to vector<64x64xf32>
    %slice3A_159 = vector.extract_strided_slice %slice3A_158 {offsets = [0, 0], sizes = [64, 32], strides = [1, 1]} : vector<64x64xf32> to vector<64x32xf32>
    %slice3A_160 = vector.extract_strided_slice %slice3A_158 {offsets = [0, 32], sizes = [64, 32], strides = [1, 1]} : vector<64x64xf32> to vector<64x32xf32>
    %mul3A_161 = arith.mulf %slice3A_159, %get3A_23 : vector<64x32xf32>
    %mul3A_162 = arith.mulf %slice3A_160, %get3A_26 : vector<64x32xf32>
    %sub3A_163 = arith.subf %mul3A_161, %mul3A_162 : vector<64x32xf32>
    %mul3A_164 = arith.mulf %slice3A_159, %get3A_26 : vector<64x32xf32>
    %mul3A_165 = arith.mulf %slice3A_160, %get3A_23 : vector<64x32xf32>
    %add3A_166 = arith.addf %mul3A_164, %mul3A_165 : vector<64x32xf32>
    %concatenate3A_167 = tpu.concatenate %sub3A_163, %add3A_166 in 1 : vector<64x32xf32>, vector<64x32xf32> -> vector<64x64xf32>
    %dot_general3A_168 = arith.constant dense<0.000000e+00> : vector<64x64xf32>
    %dot_general3A_169 = tpu.matmul %concatenate3A_167, %concatenate3A, %dot_general3A_168 {dimension_numbers = #tpu.dot_dimension_numbers<[1], [1], [0], [0], [0, 0, 1, 0], [], []>, transpose_lhs_hint = false} : vector<64x64xf32>, vector<64x64xf32>, vector<64x64xf32> -> vector<64x64xf32>
    %mul3A_170 = arith.constant 1.562500e-02 : f32
    %mul3A_171 = vector.broadcast %mul3A_170 : f32 to vector<64x64xf32>
    %mul3A_172 = arith.mulf %dot_general3A_169, %mul3A_171 : vector<64x64xf32>
    %jit3A_173 = arith.constant -1.000000e+30 : f32
    %broadcast_in_dim3A_174 = vector.broadcast %jit3A_173 : f32 to vector<64x64xf32>
    %select_n3A_175 = arith.select %ge3A, %mul3A_172, %broadcast_in_dim3A_174 : vector<64x64xi1>, vector<64x64xf32>
    %reduce_max3A_176 = arith.constant dense<0xFF800000> : vector<64xf32>
    %reduce_max3A_177 = vector.multi_reduction <maximumf>, %select_n3A_175, %reduce_max3A_176 [1] : vector<64x64xf32> to vector<64xf32>
    %broadcast_in_dim3A_178 = vector.shape_cast %reduce_max3A_177 : vector<64xf32> to vector<64x1xf32>
    %sub3A_179 = vector.broadcast %broadcast_in_dim3A_178 : vector<64x1xf32> to vector<64x64xf32>
    %sub3A_180 = arith.subf %select_n3A_175, %sub3A_179 : vector<64x64xf32>
    %exp3A_181 = math.exp %sub3A_180 : vector<64x64xf32>
    %reduce_sum3A_182 = arith.constant dense<0.000000e+00> : vector<64xf32>
    %reduce_sum3A_183 = vector.multi_reduction <add>, %exp3A_181, %reduce_sum3A_182 [1] : vector<64x64xf32> to vector<64xf32>
    %broadcast_in_dim3A_184 = vector.shape_cast %reduce_sum3A_183 : vector<64xf32> to vector<64x1xf32>
    %div3A_185 = vector.broadcast %broadcast_in_dim3A_184 : vector<64x1xf32> to vector<64x64xf32>
    %div3A_186 = arith.divf %exp3A_181, %div3A_185 : vector<64x64xf32>
    %dot_general3A_187 = arith.constant dense<0.000000e+00> : vector<64x64xf32>
    %dot_general3A_188 = tpu.matmul %div3A_186, %slice3A_35, %dot_general3A_187 {dimension_numbers = #tpu.dot_dimension_numbers<[1], [0], [0], [1], [0, 0, 1, 1], [], []>, transpose_lhs_hint = false} : vector<64x64xf32>, vector<64x64xf32>, vector<64x64xf32> -> vector<64x64xf32>
    %slice3A_189 = vector.extract_strided_slice %dot_general3A_20 {offsets = [0, 256], sizes = [64, 64], strides = [1, 1]} : vector<64x1536xf32> to vector<64x64xf32>
    %slice3A_190 = vector.extract_strided_slice %slice3A_189 {offsets = [0, 0], sizes = [64, 32], strides = [1, 1]} : vector<64x64xf32> to vector<64x32xf32>
    %slice3A_191 = vector.extract_strided_slice %slice3A_189 {offsets = [0, 32], sizes = [64, 32], strides = [1, 1]} : vector<64x64xf32> to vector<64x32xf32>
    %mul3A_192 = arith.mulf %slice3A_190, %get3A_23 : vector<64x32xf32>
    %mul3A_193 = arith.mulf %slice3A_191, %get3A_26 : vector<64x32xf32>
    %sub3A_194 = arith.subf %mul3A_192, %mul3A_193 : vector<64x32xf32>
    %mul3A_195 = arith.mulf %slice3A_190, %get3A_26 : vector<64x32xf32>
    %mul3A_196 = arith.mulf %slice3A_191, %get3A_23 : vector<64x32xf32>
    %add3A_197 = arith.addf %mul3A_195, %mul3A_196 : vector<64x32xf32>
    %concatenate3A_198 = tpu.concatenate %sub3A_194, %add3A_197 in 1 : vector<64x32xf32>, vector<64x32xf32> -> vector<64x64xf32>
    %dot_general3A_199 = arith.constant dense<0.000000e+00> : vector<64x64xf32>
    %dot_general3A_200 = tpu.matmul %concatenate3A_198, %concatenate3A_45, %dot_general3A_199 {dimension_numbers = #tpu.dot_dimension_numbers<[1], [1], [0], [0], [0, 0, 1, 0], [], []>, transpose_lhs_hint = false} : vector<64x64xf32>, vector<64x64xf32>, vector<64x64xf32> -> vector<64x64xf32>
    %mul3A_201 = arith.constant 1.562500e-02 : f32
    %mul3A_202 = vector.broadcast %mul3A_201 : f32 to vector<64x64xf32>
    %mul3A_203 = arith.mulf %dot_general3A_200, %mul3A_202 : vector<64x64xf32>
    %jit3A_204 = arith.constant -1.000000e+30 : f32
    %broadcast_in_dim3A_205 = vector.broadcast %jit3A_204 : f32 to vector<64x64xf32>
    %select_n3A_206 = arith.select %ge3A, %mul3A_203, %broadcast_in_dim3A_205 : vector<64x64xi1>, vector<64x64xf32>
    %reduce_max3A_207 = arith.constant dense<0xFF800000> : vector<64xf32>
    %reduce_max3A_208 = vector.multi_reduction <maximumf>, %select_n3A_206, %reduce_max3A_207 [1] : vector<64x64xf32> to vector<64xf32>
    %broadcast_in_dim3A_209 = vector.shape_cast %reduce_max3A_208 : vector<64xf32> to vector<64x1xf32>
    %sub3A_210 = vector.broadcast %broadcast_in_dim3A_209 : vector<64x1xf32> to vector<64x64xf32>
    %sub3A_211 = arith.subf %select_n3A_206, %sub3A_210 : vector<64x64xf32>
    %exp3A_212 = math.exp %sub3A_211 : vector<64x64xf32>
    %reduce_sum3A_213 = arith.constant dense<0.000000e+00> : vector<64xf32>
    %reduce_sum3A_214 = vector.multi_reduction <add>, %exp3A_212, %reduce_sum3A_213 [1] : vector<64x64xf32> to vector<64xf32>
    %broadcast_in_dim3A_215 = vector.shape_cast %reduce_sum3A_214 : vector<64xf32> to vector<64x1xf32>
    %div3A_216 = vector.broadcast %broadcast_in_dim3A_215 : vector<64x1xf32> to vector<64x64xf32>
    %div3A_217 = arith.divf %exp3A_212, %div3A_216 : vector<64x64xf32>
    %dot_general3A_218 = arith.constant dense<0.000000e+00> : vector<64x64xf32>
    %dot_general3A_219 = tpu.matmul %div3A_217, %slice3A_46, %dot_general3A_218 {dimension_numbers = #tpu.dot_dimension_numbers<[1], [0], [0], [1], [0, 0, 1, 1], [], []>, transpose_lhs_hint = false} : vector<64x64xf32>, vector<64x64xf32>, vector<64x64xf32> -> vector<64x64xf32>
    %slice3A_220 = vector.extract_strided_slice %dot_general3A_20 {offsets = [0, 320], sizes = [64, 64], strides = [1, 1]} : vector<64x1536xf32> to vector<64x64xf32>
    %slice3A_221 = vector.extract_strided_slice %slice3A_220 {offsets = [0, 0], sizes = [64, 32], strides = [1, 1]} : vector<64x64xf32> to vector<64x32xf32>
    %slice3A_222 = vector.extract_strided_slice %slice3A_220 {offsets = [0, 32], sizes = [64, 32], strides = [1, 1]} : vector<64x64xf32> to vector<64x32xf32>
    %mul3A_223 = arith.mulf %slice3A_221, %get3A_23 : vector<64x32xf32>
    %mul3A_224 = arith.mulf %slice3A_222, %get3A_26 : vector<64x32xf32>
    %sub3A_225 = arith.subf %mul3A_223, %mul3A_224 : vector<64x32xf32>
    %mul3A_226 = arith.mulf %slice3A_221, %get3A_26 : vector<64x32xf32>
    %mul3A_227 = arith.mulf %slice3A_222, %get3A_23 : vector<64x32xf32>
    %add3A_228 = arith.addf %mul3A_226, %mul3A_227 : vector<64x32xf32>
    %concatenate3A_229 = tpu.concatenate %sub3A_225, %add3A_228 in 1 : vector<64x32xf32>, vector<64x32xf32> -> vector<64x64xf32>
    %dot_general3A_230 = arith.constant dense<0.000000e+00> : vector<64x64xf32>
    %dot_general3A_231 = tpu.matmul %concatenate3A_229, %concatenate3A_45, %dot_general3A_230 {dimension_numbers = #tpu.dot_dimension_numbers<[1], [1], [0], [0], [0, 0, 1, 0], [], []>, transpose_lhs_hint = false} : vector<64x64xf32>, vector<64x64xf32>, vector<64x64xf32> -> vector<64x64xf32>
    %mul3A_232 = arith.constant 1.562500e-02 : f32
    %mul3A_233 = vector.broadcast %mul3A_232 : f32 to vector<64x64xf32>
    %mul3A_234 = arith.mulf %dot_general3A_231, %mul3A_233 : vector<64x64xf32>
    %jit3A_235 = arith.constant -1.000000e+30 : f32
    %broadcast_in_dim3A_236 = vector.broadcast %jit3A_235 : f32 to vector<64x64xf32>
    %select_n3A_237 = arith.select %ge3A, %mul3A_234, %broadcast_in_dim3A_236 : vector<64x64xi1>, vector<64x64xf32>
    %reduce_max3A_238 = arith.constant dense<0xFF800000> : vector<64xf32>
    %reduce_max3A_239 = vector.multi_reduction <maximumf>, %select_n3A_237, %reduce_max3A_238 [1] : vector<64x64xf32> to vector<64xf32>
    %broadcast_in_dim3A_240 = vector.shape_cast %reduce_max3A_239 : vector<64xf32> to vector<64x1xf32>
    %sub3A_241 = vector.broadcast %broadcast_in_dim3A_240 : vector<64x1xf32> to vector<64x64xf32>
    %sub3A_242 = arith.subf %select_n3A_237, %sub3A_241 : vector<64x64xf32>
    %exp3A_243 = math.exp %sub3A_242 : vector<64x64xf32>
    %reduce_sum3A_244 = arith.constant dense<0.000000e+00> : vector<64xf32>
    %reduce_sum3A_245 = vector.multi_reduction <add>, %exp3A_243, %reduce_sum3A_244 [1] : vector<64x64xf32> to vector<64xf32>
    %broadcast_in_dim3A_246 = vector.shape_cast %reduce_sum3A_245 : vector<64xf32> to vector<64x1xf32>
    %div3A_247 = vector.broadcast %broadcast_in_dim3A_246 : vector<64x1xf32> to vector<64x64xf32>
    %div3A_248 = arith.divf %exp3A_243, %div3A_247 : vector<64x64xf32>
    %dot_general3A_249 = arith.constant dense<0.000000e+00> : vector<64x64xf32>
    %dot_general3A_250 = tpu.matmul %div3A_248, %slice3A_46, %dot_general3A_249 {dimension_numbers = #tpu.dot_dimension_numbers<[1], [0], [0], [1], [0, 0, 1, 1], [], []>, transpose_lhs_hint = false} : vector<64x64xf32>, vector<64x64xf32>, vector<64x64xf32> -> vector<64x64xf32>
    %slice3A_251 = vector.extract_strided_slice %dot_general3A_20 {offsets = [0, 384], sizes = [64, 64], strides = [1, 1]} : vector<64x1536xf32> to vector<64x64xf32>
    %slice3A_252 = vector.extract_strided_slice %slice3A_251 {offsets = [0, 0], sizes = [64, 32], strides = [1, 1]} : vector<64x64xf32> to vector<64x32xf32>
    %slice3A_253 = vector.extract_strided_slice %slice3A_251 {offsets = [0, 32], sizes = [64, 32], strides = [1, 1]} : vector<64x64xf32> to vector<64x32xf32>
    %mul3A_254 = arith.mulf %slice3A_252, %get3A_23 : vector<64x32xf32>
    %mul3A_255 = arith.mulf %slice3A_253, %get3A_26 : vector<64x32xf32>
    %sub3A_256 = arith.subf %mul3A_254, %mul3A_255 : vector<64x32xf32>
    %mul3A_257 = arith.mulf %slice3A_252, %get3A_26 : vector<64x32xf32>
    %mul3A_258 = arith.mulf %slice3A_253, %get3A_23 : vector<64x32xf32>
    %add3A_259 = arith.addf %mul3A_257, %mul3A_258 : vector<64x32xf32>
    %concatenate3A_260 = tpu.concatenate %sub3A_256, %add3A_259 in 1 : vector<64x32xf32>, vector<64x32xf32> -> vector<64x64xf32>
    %dot_general3A_261 = arith.constant dense<0.000000e+00> : vector<64x64xf32>
    %dot_general3A_262 = tpu.matmul %concatenate3A_260, %concatenate3A_45, %dot_general3A_261 {dimension_numbers = #tpu.dot_dimension_numbers<[1], [1], [0], [0], [0, 0, 1, 0], [], []>, transpose_lhs_hint = false} : vector<64x64xf32>, vector<64x64xf32>, vector<64x64xf32> -> vector<64x64xf32>
    %mul3A_263 = arith.constant 1.562500e-02 : f32
    %mul3A_264 = vector.broadcast %mul3A_263 : f32 to vector<64x64xf32>
    %mul3A_265 = arith.mulf %dot_general3A_262, %mul3A_264 : vector<64x64xf32>
    %jit3A_266 = arith.constant -1.000000e+30 : f32
    %broadcast_in_dim3A_267 = vector.broadcast %jit3A_266 : f32 to vector<64x64xf32>
    %select_n3A_268 = arith.select %ge3A, %mul3A_265, %broadcast_in_dim3A_267 : vector<64x64xi1>, vector<64x64xf32>
    %reduce_max3A_269 = arith.constant dense<0xFF800000> : vector<64xf32>
    %reduce_max3A_270 = vector.multi_reduction <maximumf>, %select_n3A_268, %reduce_max3A_269 [1] : vector<64x64xf32> to vector<64xf32>
    %broadcast_in_dim3A_271 = vector.shape_cast %reduce_max3A_270 : vector<64xf32> to vector<64x1xf32>
    %sub3A_272 = vector.broadcast %broadcast_in_dim3A_271 : vector<64x1xf32> to vector<64x64xf32>
    %sub3A_273 = arith.subf %select_n3A_268, %sub3A_272 : vector<64x64xf32>
    %exp3A_274 = math.exp %sub3A_273 : vector<64x64xf32>
    %reduce_sum3A_275 = arith.constant dense<0.000000e+00> : vector<64xf32>
    %reduce_sum3A_276 = vector.multi_reduction <add>, %exp3A_274, %reduce_sum3A_275 [1] : vector<64x64xf32> to vector<64xf32>
    %broadcast_in_dim3A_277 = vector.shape_cast %reduce_sum3A_276 : vector<64xf32> to vector<64x1xf32>
    %div3A_278 = vector.broadcast %broadcast_in_dim3A_277 : vector<64x1xf32> to vector<64x64xf32>
    %div3A_279 = arith.divf %exp3A_274, %div3A_278 : vector<64x64xf32>
    %dot_general3A_280 = arith.constant dense<0.000000e+00> : vector<64x64xf32>
    %dot_general3A_281 = tpu.matmul %div3A_279, %slice3A_46, %dot_general3A_280 {dimension_numbers = #tpu.dot_dimension_numbers<[1], [0], [0], [1], [0, 0, 1, 1], [], []>, transpose_lhs_hint = false} : vector<64x64xf32>, vector<64x64xf32>, vector<64x64xf32> -> vector<64x64xf32>
    %slice3A_282 = vector.extract_strided_slice %dot_general3A_20 {offsets = [0, 448], sizes = [64, 64], strides = [1, 1]} : vector<64x1536xf32> to vector<64x64xf32>
    %slice3A_283 = vector.extract_strided_slice %slice3A_282 {offsets = [0, 0], sizes = [64, 32], strides = [1, 1]} : vector<64x64xf32> to vector<64x32xf32>
    %slice3A_284 = vector.extract_strided_slice %slice3A_282 {offsets = [0, 32], sizes = [64, 32], strides = [1, 1]} : vector<64x64xf32> to vector<64x32xf32>
    %mul3A_285 = arith.mulf %slice3A_283, %get3A_23 : vector<64x32xf32>
    %mul3A_286 = arith.mulf %slice3A_284, %get3A_26 : vector<64x32xf32>
    %sub3A_287 = arith.subf %mul3A_285, %mul3A_286 : vector<64x32xf32>
    %mul3A_288 = arith.mulf %slice3A_283, %get3A_26 : vector<64x32xf32>
    %mul3A_289 = arith.mulf %slice3A_284, %get3A_23 : vector<64x32xf32>
    %add3A_290 = arith.addf %mul3A_288, %mul3A_289 : vector<64x32xf32>
    %concatenate3A_291 = tpu.concatenate %sub3A_287, %add3A_290 in 1 : vector<64x32xf32>, vector<64x32xf32> -> vector<64x64xf32>
    %dot_general3A_292 = arith.constant dense<0.000000e+00> : vector<64x64xf32>
    %dot_general3A_293 = tpu.matmul %concatenate3A_291, %concatenate3A_45, %dot_general3A_292 {dimension_numbers = #tpu.dot_dimension_numbers<[1], [1], [0], [0], [0, 0, 1, 0], [], []>, transpose_lhs_hint = false} : vector<64x64xf32>, vector<64x64xf32>, vector<64x64xf32> -> vector<64x64xf32>
    %mul3A_294 = arith.constant 1.562500e-02 : f32
    %mul3A_295 = vector.broadcast %mul3A_294 : f32 to vector<64x64xf32>
    %mul3A_296 = arith.mulf %dot_general3A_293, %mul3A_295 : vector<64x64xf32>
    %jit3A_297 = arith.constant -1.000000e+30 : f32
    %broadcast_in_dim3A_298 = vector.broadcast %jit3A_297 : f32 to vector<64x64xf32>
    %select_n3A_299 = arith.select %ge3A, %mul3A_296, %broadcast_in_dim3A_298 : vector<64x64xi1>, vector<64x64xf32>
    %reduce_max3A_300 = arith.constant dense<0xFF800000> : vector<64xf32>
    %reduce_max3A_301 = vector.multi_reduction <maximumf>, %select_n3A_299, %reduce_max3A_300 [1] : vector<64x64xf32> to vector<64xf32>
    %broadcast_in_dim3A_302 = vector.shape_cast %reduce_max3A_301 : vector<64xf32> to vector<64x1xf32>
    %sub3A_303 = vector.broadcast %broadcast_in_dim3A_302 : vector<64x1xf32> to vector<64x64xf32>
    %sub3A_304 = arith.subf %select_n3A_299, %sub3A_303 : vector<64x64xf32>
    %exp3A_305 = math.exp %sub3A_304 : vector<64x64xf32>
    %reduce_sum3A_306 = arith.constant dense<0.000000e+00> : vector<64xf32>
    %reduce_sum3A_307 = vector.multi_reduction <add>, %exp3A_305, %reduce_sum3A_306 [1] : vector<64x64xf32> to vector<64xf32>
    %broadcast_in_dim3A_308 = vector.shape_cast %reduce_sum3A_307 : vector<64xf32> to vector<64x1xf32>
    %div3A_309 = vector.broadcast %broadcast_in_dim3A_308 : vector<64x1xf32> to vector<64x64xf32>
    %div3A_310 = arith.divf %exp3A_305, %div3A_309 : vector<64x64xf32>
    %dot_general3A_311 = arith.constant dense<0.000000e+00> : vector<64x64xf32>
    %dot_general3A_312 = tpu.matmul %div3A_310, %slice3A_46, %dot_general3A_311 {dimension_numbers = #tpu.dot_dimension_numbers<[1], [0], [0], [1], [0, 0, 1, 1], [], []>, transpose_lhs_hint = false} : vector<64x64xf32>, vector<64x64xf32>, vector<64x64xf32> -> vector<64x64xf32>
    %slice3A_313 = vector.extract_strided_slice %dot_general3A_20 {offsets = [0, 512], sizes = [64, 64], strides = [1, 1]} : vector<64x1536xf32> to vector<64x64xf32>
    %slice3A_314 = vector.extract_strided_slice %slice3A_313 {offsets = [0, 0], sizes = [64, 32], strides = [1, 1]} : vector<64x64xf32> to vector<64x32xf32>
    %slice3A_315 = vector.extract_strided_slice %slice3A_313 {offsets = [0, 32], sizes = [64, 32], strides = [1, 1]} : vector<64x64xf32> to vector<64x32xf32>
    %mul3A_316 = arith.mulf %slice3A_314, %get3A_23 : vector<64x32xf32>
    %mul3A_317 = arith.mulf %slice3A_315, %get3A_26 : vector<64x32xf32>
    %sub3A_318 = arith.subf %mul3A_316, %mul3A_317 : vector<64x32xf32>
    %mul3A_319 = arith.mulf %slice3A_314, %get3A_26 : vector<64x32xf32>
    %mul3A_320 = arith.mulf %slice3A_315, %get3A_23 : vector<64x32xf32>
    %add3A_321 = arith.addf %mul3A_319, %mul3A_320 : vector<64x32xf32>
    %concatenate3A_322 = tpu.concatenate %sub3A_318, %add3A_321 in 1 : vector<64x32xf32>, vector<64x32xf32> -> vector<64x64xf32>
    %dot_general3A_323 = arith.constant dense<0.000000e+00> : vector<64x64xf32>
    %dot_general3A_324 = tpu.matmul %concatenate3A_322, %concatenate3A_56, %dot_general3A_323 {dimension_numbers = #tpu.dot_dimension_numbers<[1], [1], [0], [0], [0, 0, 1, 0], [], []>, transpose_lhs_hint = false} : vector<64x64xf32>, vector<64x64xf32>, vector<64x64xf32> -> vector<64x64xf32>
    %mul3A_325 = arith.constant 1.562500e-02 : f32
    %mul3A_326 = vector.broadcast %mul3A_325 : f32 to vector<64x64xf32>
    %mul3A_327 = arith.mulf %dot_general3A_324, %mul3A_326 : vector<64x64xf32>
    %jit3A_328 = arith.constant -1.000000e+30 : f32
    %broadcast_in_dim3A_329 = vector.broadcast %jit3A_328 : f32 to vector<64x64xf32>
    %select_n3A_330 = arith.select %ge3A, %mul3A_327, %broadcast_in_dim3A_329 : vector<64x64xi1>, vector<64x64xf32>
    %reduce_max3A_331 = arith.constant dense<0xFF800000> : vector<64xf32>
    %reduce_max3A_332 = vector.multi_reduction <maximumf>, %select_n3A_330, %reduce_max3A_331 [1] : vector<64x64xf32> to vector<64xf32>
    %broadcast_in_dim3A_333 = vector.shape_cast %reduce_max3A_332 : vector<64xf32> to vector<64x1xf32>
    %sub3A_334 = vector.broadcast %broadcast_in_dim3A_333 : vector<64x1xf32> to vector<64x64xf32>
    %sub3A_335 = arith.subf %select_n3A_330, %sub3A_334 : vector<64x64xf32>
    %exp3A_336 = math.exp %sub3A_335 : vector<64x64xf32>
    %reduce_sum3A_337 = arith.constant dense<0.000000e+00> : vector<64xf32>
    %reduce_sum3A_338 = vector.multi_reduction <add>, %exp3A_336, %reduce_sum3A_337 [1] : vector<64x64xf32> to vector<64xf32>
    %broadcast_in_dim3A_339 = vector.shape_cast %reduce_sum3A_338 : vector<64xf32> to vector<64x1xf32>
    %div3A_340 = vector.broadcast %broadcast_in_dim3A_339 : vector<64x1xf32> to vector<64x64xf32>
    %div3A_341 = arith.divf %exp3A_336, %div3A_340 : vector<64x64xf32>
    %dot_general3A_342 = arith.constant dense<0.000000e+00> : vector<64x64xf32>
    %dot_general3A_343 = tpu.matmul %div3A_341, %slice3A_57, %dot_general3A_342 {dimension_numbers = #tpu.dot_dimension_numbers<[1], [0], [0], [1], [0, 0, 1, 1], [], []>, transpose_lhs_hint = false} : vector<64x64xf32>, vector<64x64xf32>, vector<64x64xf32> -> vector<64x64xf32>
    %slice3A_344 = vector.extract_strided_slice %dot_general3A_20 {offsets = [0, 576], sizes = [64, 64], strides = [1, 1]} : vector<64x1536xf32> to vector<64x64xf32>
    %slice3A_345 = vector.extract_strided_slice %slice3A_344 {offsets = [0, 0], sizes = [64, 32], strides = [1, 1]} : vector<64x64xf32> to vector<64x32xf32>
    %slice3A_346 = vector.extract_strided_slice %slice3A_344 {offsets = [0, 32], sizes = [64, 32], strides = [1, 1]} : vector<64x64xf32> to vector<64x32xf32>
    %mul3A_347 = arith.mulf %slice3A_345, %get3A_23 : vector<64x32xf32>
    %mul3A_348 = arith.mulf %slice3A_346, %get3A_26 : vector<64x32xf32>
    %sub3A_349 = arith.subf %mul3A_347, %mul3A_348 : vector<64x32xf32>
    %mul3A_350 = arith.mulf %slice3A_345, %get3A_26 : vector<64x32xf32>
    %mul3A_351 = arith.mulf %slice3A_346, %get3A_23 : vector<64x32xf32>
    %add3A_352 = arith.addf %mul3A_350, %mul3A_351 : vector<64x32xf32>
    %concatenate3A_353 = tpu.concatenate %sub3A_349, %add3A_352 in 1 : vector<64x32xf32>, vector<64x32xf32> -> vector<64x64xf32>
    %dot_general3A_354 = arith.constant dense<0.000000e+00> : vector<64x64xf32>
    %dot_general3A_355 = tpu.matmul %concatenate3A_353, %concatenate3A_56, %dot_general3A_354 {dimension_numbers = #tpu.dot_dimension_numbers<[1], [1], [0], [0], [0, 0, 1, 0], [], []>, transpose_lhs_hint = false} : vector<64x64xf32>, vector<64x64xf32>, vector<64x64xf32> -> vector<64x64xf32>
    %mul3A_356 = arith.constant 1.562500e-02 : f32
    %mul3A_357 = vector.broadcast %mul3A_356 : f32 to vector<64x64xf32>
    %mul3A_358 = arith.mulf %dot_general3A_355, %mul3A_357 : vector<64x64xf32>
    %jit3A_359 = arith.constant -1.000000e+30 : f32
    %broadcast_in_dim3A_360 = vector.broadcast %jit3A_359 : f32 to vector<64x64xf32>
    %select_n3A_361 = arith.select %ge3A, %mul3A_358, %broadcast_in_dim3A_360 : vector<64x64xi1>, vector<64x64xf32>
    %reduce_max3A_362 = arith.constant dense<0xFF800000> : vector<64xf32>
    %reduce_max3A_363 = vector.multi_reduction <maximumf>, %select_n3A_361, %reduce_max3A_362 [1] : vector<64x64xf32> to vector<64xf32>
    %broadcast_in_dim3A_364 = vector.shape_cast %reduce_max3A_363 : vector<64xf32> to vector<64x1xf32>
    %sub3A_365 = vector.broadcast %broadcast_in_dim3A_364 : vector<64x1xf32> to vector<64x64xf32>
    %sub3A_366 = arith.subf %select_n3A_361, %sub3A_365 : vector<64x64xf32>
    %exp3A_367 = math.exp %sub3A_366 : vector<64x64xf32>
    %reduce_sum3A_368 = arith.constant dense<0.000000e+00> : vector<64xf32>
    %reduce_sum3A_369 = vector.multi_reduction <add>, %exp3A_367, %reduce_sum3A_368 [1] : vector<64x64xf32> to vector<64xf32>
    %broadcast_in_dim3A_370 = vector.shape_cast %reduce_sum3A_369 : vector<64xf32> to vector<64x1xf32>
    %div3A_371 = vector.broadcast %broadcast_in_dim3A_370 : vector<64x1xf32> to vector<64x64xf32>
    %div3A_372 = arith.divf %exp3A_367, %div3A_371 : vector<64x64xf32>
    %dot_general3A_373 = arith.constant dense<0.000000e+00> : vector<64x64xf32>
    %dot_general3A_374 = tpu.matmul %div3A_372, %slice3A_57, %dot_general3A_373 {dimension_numbers = #tpu.dot_dimension_numbers<[1], [0], [0], [1], [0, 0, 1, 1], [], []>, transpose_lhs_hint = false} : vector<64x64xf32>, vector<64x64xf32>, vector<64x64xf32> -> vector<64x64xf32>
    %slice3A_375 = vector.extract_strided_slice %dot_general3A_20 {offsets = [0, 640], sizes = [64, 64], strides = [1, 1]} : vector<64x1536xf32> to vector<64x64xf32>
    %slice3A_376 = vector.extract_strided_slice %slice3A_375 {offsets = [0, 0], sizes = [64, 32], strides = [1, 1]} : vector<64x64xf32> to vector<64x32xf32>
    %slice3A_377 = vector.extract_strided_slice %slice3A_375 {offsets = [0, 32], sizes = [64, 32], strides = [1, 1]} : vector<64x64xf32> to vector<64x32xf32>
    %mul3A_378 = arith.mulf %slice3A_376, %get3A_23 : vector<64x32xf32>
    %mul3A_379 = arith.mulf %slice3A_377, %get3A_26 : vector<64x32xf32>
    %sub3A_380 = arith.subf %mul3A_378, %mul3A_379 : vector<64x32xf32>
    %mul3A_381 = arith.mulf %slice3A_376, %get3A_26 : vector<64x32xf32>
    %mul3A_382 = arith.mulf %slice3A_377, %get3A_23 : vector<64x32xf32>
    %add3A_383 = arith.addf %mul3A_381, %mul3A_382 : vector<64x32xf32>
    %concatenate3A_384 = tpu.concatenate %sub3A_380, %add3A_383 in 1 : vector<64x32xf32>, vector<64x32xf32> -> vector<64x64xf32>
    %dot_general3A_385 = arith.constant dense<0.000000e+00> : vector<64x64xf32>
    %dot_general3A_386 = tpu.matmul %concatenate3A_384, %concatenate3A_56, %dot_general3A_385 {dimension_numbers = #tpu.dot_dimension_numbers<[1], [1], [0], [0], [0, 0, 1, 0], [], []>, transpose_lhs_hint = false} : vector<64x64xf32>, vector<64x64xf32>, vector<64x64xf32> -> vector<64x64xf32>
    %mul3A_387 = arith.constant 1.562500e-02 : f32
    %mul3A_388 = vector.broadcast %mul3A_387 : f32 to vector<64x64xf32>
    %mul3A_389 = arith.mulf %dot_general3A_386, %mul3A_388 : vector<64x64xf32>
    %jit3A_390 = arith.constant -1.000000e+30 : f32
    %broadcast_in_dim3A_391 = vector.broadcast %jit3A_390 : f32 to vector<64x64xf32>
    %select_n3A_392 = arith.select %ge3A, %mul3A_389, %broadcast_in_dim3A_391 : vector<64x64xi1>, vector<64x64xf32>
    %reduce_max3A_393 = arith.constant dense<0xFF800000> : vector<64xf32>
    %reduce_max3A_394 = vector.multi_reduction <maximumf>, %select_n3A_392, %reduce_max3A_393 [1] : vector<64x64xf32> to vector<64xf32>
    %broadcast_in_dim3A_395 = vector.shape_cast %reduce_max3A_394 : vector<64xf32> to vector<64x1xf32>
    %sub3A_396 = vector.broadcast %broadcast_in_dim3A_395 : vector<64x1xf32> to vector<64x64xf32>
    %sub3A_397 = arith.subf %select_n3A_392, %sub3A_396 : vector<64x64xf32>
    %exp3A_398 = math.exp %sub3A_397 : vector<64x64xf32>
    %reduce_sum3A_399 = arith.constant dense<0.000000e+00> : vector<64xf32>
    %reduce_sum3A_400 = vector.multi_reduction <add>, %exp3A_398, %reduce_sum3A_399 [1] : vector<64x64xf32> to vector<64xf32>
    %broadcast_in_dim3A_401 = vector.shape_cast %reduce_sum3A_400 : vector<64xf32> to vector<64x1xf32>
    %div3A_402 = vector.broadcast %broadcast_in_dim3A_401 : vector<64x1xf32> to vector<64x64xf32>
    %div3A_403 = arith.divf %exp3A_398, %div3A_402 : vector<64x64xf32>
    %dot_general3A_404 = arith.constant dense<0.000000e+00> : vector<64x64xf32>
    %dot_general3A_405 = tpu.matmul %div3A_403, %slice3A_57, %dot_general3A_404 {dimension_numbers = #tpu.dot_dimension_numbers<[1], [0], [0], [1], [0, 0, 1, 1], [], []>, transpose_lhs_hint = false} : vector<64x64xf32>, vector<64x64xf32>, vector<64x64xf32> -> vector<64x64xf32>
    %slice3A_406 = vector.extract_strided_slice %dot_general3A_20 {offsets = [0, 704], sizes = [64, 64], strides = [1, 1]} : vector<64x1536xf32> to vector<64x64xf32>
    %slice3A_407 = vector.extract_strided_slice %slice3A_406 {offsets = [0, 0], sizes = [64, 32], strides = [1, 1]} : vector<64x64xf32> to vector<64x32xf32>
    %slice3A_408 = vector.extract_strided_slice %slice3A_406 {offsets = [0, 32], sizes = [64, 32], strides = [1, 1]} : vector<64x64xf32> to vector<64x32xf32>
    %mul3A_409 = arith.mulf %slice3A_407, %get3A_23 : vector<64x32xf32>
    %mul3A_410 = arith.mulf %slice3A_408, %get3A_26 : vector<64x32xf32>
    %sub3A_411 = arith.subf %mul3A_409, %mul3A_410 : vector<64x32xf32>
    %mul3A_412 = arith.mulf %slice3A_407, %get3A_26 : vector<64x32xf32>
    %mul3A_413 = arith.mulf %slice3A_408, %get3A_23 : vector<64x32xf32>
    %add3A_414 = arith.addf %mul3A_412, %mul3A_413 : vector<64x32xf32>
    %concatenate3A_415 = tpu.concatenate %sub3A_411, %add3A_414 in 1 : vector<64x32xf32>, vector<64x32xf32> -> vector<64x64xf32>
    %dot_general3A_416 = arith.constant dense<0.000000e+00> : vector<64x64xf32>
    %dot_general3A_417 = tpu.matmul %concatenate3A_415, %concatenate3A_56, %dot_general3A_416 {dimension_numbers = #tpu.dot_dimension_numbers<[1], [1], [0], [0], [0, 0, 1, 0], [], []>, transpose_lhs_hint = false} : vector<64x64xf32>, vector<64x64xf32>, vector<64x64xf32> -> vector<64x64xf32>
    %mul3A_418 = arith.constant 1.562500e-02 : f32
    %mul3A_419 = vector.broadcast %mul3A_418 : f32 to vector<64x64xf32>
    %mul3A_420 = arith.mulf %dot_general3A_417, %mul3A_419 : vector<64x64xf32>
    %jit3A_421 = arith.constant -1.000000e+30 : f32
    %broadcast_in_dim3A_422 = vector.broadcast %jit3A_421 : f32 to vector<64x64xf32>
    %select_n3A_423 = arith.select %ge3A, %mul3A_420, %broadcast_in_dim3A_422 : vector<64x64xi1>, vector<64x64xf32>
    %reduce_max3A_424 = arith.constant dense<0xFF800000> : vector<64xf32>
    %reduce_max3A_425 = vector.multi_reduction <maximumf>, %select_n3A_423, %reduce_max3A_424 [1] : vector<64x64xf32> to vector<64xf32>
    %broadcast_in_dim3A_426 = vector.shape_cast %reduce_max3A_425 : vector<64xf32> to vector<64x1xf32>
    %sub3A_427 = vector.broadcast %broadcast_in_dim3A_426 : vector<64x1xf32> to vector<64x64xf32>
    %sub3A_428 = arith.subf %select_n3A_423, %sub3A_427 : vector<64x64xf32>
    %exp3A_429 = math.exp %sub3A_428 : vector<64x64xf32>
    %reduce_sum3A_430 = arith.constant dense<0.000000e+00> : vector<64xf32>
    %reduce_sum3A_431 = vector.multi_reduction <add>, %exp3A_429, %reduce_sum3A_430 [1] : vector<64x64xf32> to vector<64xf32>
    %broadcast_in_dim3A_432 = vector.shape_cast %reduce_sum3A_431 : vector<64xf32> to vector<64x1xf32>
    %div3A_433 = vector.broadcast %broadcast_in_dim3A_432 : vector<64x1xf32> to vector<64x64xf32>
    %div3A_434 = arith.divf %exp3A_429, %div3A_433 : vector<64x64xf32>
    %dot_general3A_435 = arith.constant dense<0.000000e+00> : vector<64x64xf32>
    %dot_general3A_436 = tpu.matmul %div3A_434, %slice3A_57, %dot_general3A_435 {dimension_numbers = #tpu.dot_dimension_numbers<[1], [0], [0], [1], [0, 0, 1, 1], [], []>, transpose_lhs_hint = false} : vector<64x64xf32>, vector<64x64xf32>, vector<64x64xf32> -> vector<64x64xf32>
    %slice3A_437 = vector.extract_strided_slice %dot_general3A_20 {offsets = [0, 768], sizes = [64, 64], strides = [1, 1]} : vector<64x1536xf32> to vector<64x64xf32>
    %slice3A_438 = vector.extract_strided_slice %slice3A_437 {offsets = [0, 0], sizes = [64, 32], strides = [1, 1]} : vector<64x64xf32> to vector<64x32xf32>
    %slice3A_439 = vector.extract_strided_slice %slice3A_437 {offsets = [0, 32], sizes = [64, 32], strides = [1, 1]} : vector<64x64xf32> to vector<64x32xf32>
    %mul3A_440 = arith.mulf %slice3A_438, %get3A_23 : vector<64x32xf32>
    %mul3A_441 = arith.mulf %slice3A_439, %get3A_26 : vector<64x32xf32>
    %sub3A_442 = arith.subf %mul3A_440, %mul3A_441 : vector<64x32xf32>
    %mul3A_443 = arith.mulf %slice3A_438, %get3A_26 : vector<64x32xf32>
    %mul3A_444 = arith.mulf %slice3A_439, %get3A_23 : vector<64x32xf32>
    %add3A_445 = arith.addf %mul3A_443, %mul3A_444 : vector<64x32xf32>
    %concatenate3A_446 = tpu.concatenate %sub3A_442, %add3A_445 in 1 : vector<64x32xf32>, vector<64x32xf32> -> vector<64x64xf32>
    %dot_general3A_447 = arith.constant dense<0.000000e+00> : vector<64x64xf32>
    %dot_general3A_448 = tpu.matmul %concatenate3A_446, %concatenate3A_67, %dot_general3A_447 {dimension_numbers = #tpu.dot_dimension_numbers<[1], [1], [0], [0], [0, 0, 1, 0], [], []>, transpose_lhs_hint = false} : vector<64x64xf32>, vector<64x64xf32>, vector<64x64xf32> -> vector<64x64xf32>
    %mul3A_449 = arith.constant 1.562500e-02 : f32
    %mul3A_450 = vector.broadcast %mul3A_449 : f32 to vector<64x64xf32>
    %mul3A_451 = arith.mulf %dot_general3A_448, %mul3A_450 : vector<64x64xf32>
    %jit3A_452 = arith.constant -1.000000e+30 : f32
    %broadcast_in_dim3A_453 = vector.broadcast %jit3A_452 : f32 to vector<64x64xf32>
    %select_n3A_454 = arith.select %ge3A, %mul3A_451, %broadcast_in_dim3A_453 : vector<64x64xi1>, vector<64x64xf32>
    %reduce_max3A_455 = arith.constant dense<0xFF800000> : vector<64xf32>
    %reduce_max3A_456 = vector.multi_reduction <maximumf>, %select_n3A_454, %reduce_max3A_455 [1] : vector<64x64xf32> to vector<64xf32>
    %broadcast_in_dim3A_457 = vector.shape_cast %reduce_max3A_456 : vector<64xf32> to vector<64x1xf32>
    %sub3A_458 = vector.broadcast %broadcast_in_dim3A_457 : vector<64x1xf32> to vector<64x64xf32>
    %sub3A_459 = arith.subf %select_n3A_454, %sub3A_458 : vector<64x64xf32>
    %exp3A_460 = math.exp %sub3A_459 : vector<64x64xf32>
    %reduce_sum3A_461 = arith.constant dense<0.000000e+00> : vector<64xf32>
    %reduce_sum3A_462 = vector.multi_reduction <add>, %exp3A_460, %reduce_sum3A_461 [1] : vector<64x64xf32> to vector<64xf32>
    %broadcast_in_dim3A_463 = vector.shape_cast %reduce_sum3A_462 : vector<64xf32> to vector<64x1xf32>
    %div3A_464 = vector.broadcast %broadcast_in_dim3A_463 : vector<64x1xf32> to vector<64x64xf32>
    %div3A_465 = arith.divf %exp3A_460, %div3A_464 : vector<64x64xf32>
    %dot_general3A_466 = arith.constant dense<0.000000e+00> : vector<64x64xf32>
    %dot_general3A_467 = tpu.matmul %div3A_465, %slice3A_68, %dot_general3A_466 {dimension_numbers = #tpu.dot_dimension_numbers<[1], [0], [0], [1], [0, 0, 1, 1], [], []>, transpose_lhs_hint = false} : vector<64x64xf32>, vector<64x64xf32>, vector<64x64xf32> -> vector<64x64xf32>
    %slice3A_468 = vector.extract_strided_slice %dot_general3A_20 {offsets = [0, 832], sizes = [64, 64], strides = [1, 1]} : vector<64x1536xf32> to vector<64x64xf32>
    %slice3A_469 = vector.extract_strided_slice %slice3A_468 {offsets = [0, 0], sizes = [64, 32], strides = [1, 1]} : vector<64x64xf32> to vector<64x32xf32>
    %slice3A_470 = vector.extract_strided_slice %slice3A_468 {offsets = [0, 32], sizes = [64, 32], strides = [1, 1]} : vector<64x64xf32> to vector<64x32xf32>
    %mul3A_471 = arith.mulf %slice3A_469, %get3A_23 : vector<64x32xf32>
    %mul3A_472 = arith.mulf %slice3A_470, %get3A_26 : vector<64x32xf32>
    %sub3A_473 = arith.subf %mul3A_471, %mul3A_472 : vector<64x32xf32>
    %mul3A_474 = arith.mulf %slice3A_469, %get3A_26 : vector<64x32xf32>
    %mul3A_475 = arith.mulf %slice3A_470, %get3A_23 : vector<64x32xf32>
    %add3A_476 = arith.addf %mul3A_474, %mul3A_475 : vector<64x32xf32>
    %concatenate3A_477 = tpu.concatenate %sub3A_473, %add3A_476 in 1 : vector<64x32xf32>, vector<64x32xf32> -> vector<64x64xf32>
    %dot_general3A_478 = arith.constant dense<0.000000e+00> : vector<64x64xf32>
    %dot_general3A_479 = tpu.matmul %concatenate3A_477, %concatenate3A_67, %dot_general3A_478 {dimension_numbers = #tpu.dot_dimension_numbers<[1], [1], [0], [0], [0, 0, 1, 0], [], []>, transpose_lhs_hint = false} : vector<64x64xf32>, vector<64x64xf32>, vector<64x64xf32> -> vector<64x64xf32>
    %mul3A_480 = arith.constant 1.562500e-02 : f32
    %mul3A_481 = vector.broadcast %mul3A_480 : f32 to vector<64x64xf32>
    %mul3A_482 = arith.mulf %dot_general3A_479, %mul3A_481 : vector<64x64xf32>
    %jit3A_483 = arith.constant -1.000000e+30 : f32
    %broadcast_in_dim3A_484 = vector.broadcast %jit3A_483 : f32 to vector<64x64xf32>
    %select_n3A_485 = arith.select %ge3A, %mul3A_482, %broadcast_in_dim3A_484 : vector<64x64xi1>, vector<64x64xf32>
    %reduce_max3A_486 = arith.constant dense<0xFF800000> : vector<64xf32>
    %reduce_max3A_487 = vector.multi_reduction <maximumf>, %select_n3A_485, %reduce_max3A_486 [1] : vector<64x64xf32> to vector<64xf32>
    %broadcast_in_dim3A_488 = vector.shape_cast %reduce_max3A_487 : vector<64xf32> to vector<64x1xf32>
    %sub3A_489 = vector.broadcast %broadcast_in_dim3A_488 : vector<64x1xf32> to vector<64x64xf32>
    %sub3A_490 = arith.subf %select_n3A_485, %sub3A_489 : vector<64x64xf32>
    %exp3A_491 = math.exp %sub3A_490 : vector<64x64xf32>
    %reduce_sum3A_492 = arith.constant dense<0.000000e+00> : vector<64xf32>
    %reduce_sum3A_493 = vector.multi_reduction <add>, %exp3A_491, %reduce_sum3A_492 [1] : vector<64x64xf32> to vector<64xf32>
    %broadcast_in_dim3A_494 = vector.shape_cast %reduce_sum3A_493 : vector<64xf32> to vector<64x1xf32>
    %div3A_495 = vector.broadcast %broadcast_in_dim3A_494 : vector<64x1xf32> to vector<64x64xf32>
    %div3A_496 = arith.divf %exp3A_491, %div3A_495 : vector<64x64xf32>
    %dot_general3A_497 = arith.constant dense<0.000000e+00> : vector<64x64xf32>
    %dot_general3A_498 = tpu.matmul %div3A_496, %slice3A_68, %dot_general3A_497 {dimension_numbers = #tpu.dot_dimension_numbers<[1], [0], [0], [1], [0, 0, 1, 1], [], []>, transpose_lhs_hint = false} : vector<64x64xf32>, vector<64x64xf32>, vector<64x64xf32> -> vector<64x64xf32>
    %slice3A_499 = vector.extract_strided_slice %dot_general3A_20 {offsets = [0, 896], sizes = [64, 64], strides = [1, 1]} : vector<64x1536xf32> to vector<64x64xf32>
    %slice3A_500 = vector.extract_strided_slice %slice3A_499 {offsets = [0, 0], sizes = [64, 32], strides = [1, 1]} : vector<64x64xf32> to vector<64x32xf32>
    %slice3A_501 = vector.extract_strided_slice %slice3A_499 {offsets = [0, 32], sizes = [64, 32], strides = [1, 1]} : vector<64x64xf32> to vector<64x32xf32>
    %mul3A_502 = arith.mulf %slice3A_500, %get3A_23 : vector<64x32xf32>
    %mul3A_503 = arith.mulf %slice3A_501, %get3A_26 : vector<64x32xf32>
    %sub3A_504 = arith.subf %mul3A_502, %mul3A_503 : vector<64x32xf32>
    %mul3A_505 = arith.mulf %slice3A_500, %get3A_26 : vector<64x32xf32>
    %mul3A_506 = arith.mulf %slice3A_501, %get3A_23 : vector<64x32xf32>
    %add3A_507 = arith.addf %mul3A_505, %mul3A_506 : vector<64x32xf32>
    %concatenate3A_508 = tpu.concatenate %sub3A_504, %add3A_507 in 1 : vector<64x32xf32>, vector<64x32xf32> -> vector<64x64xf32>
    %dot_general3A_509 = arith.constant dense<0.000000e+00> : vector<64x64xf32>
    %dot_general3A_510 = tpu.matmul %concatenate3A_508, %concatenate3A_67, %dot_general3A_509 {dimension_numbers = #tpu.dot_dimension_numbers<[1], [1], [0], [0], [0, 0, 1, 0], [], []>, transpose_lhs_hint = false} : vector<64x64xf32>, vector<64x64xf32>, vector<64x64xf32> -> vector<64x64xf32>
    %mul3A_511 = arith.constant 1.562500e-02 : f32
    %mul3A_512 = vector.broadcast %mul3A_511 : f32 to vector<64x64xf32>
    %mul3A_513 = arith.mulf %dot_general3A_510, %mul3A_512 : vector<64x64xf32>
    %jit3A_514 = arith.constant -1.000000e+30 : f32
    %broadcast_in_dim3A_515 = vector.broadcast %jit3A_514 : f32 to vector<64x64xf32>
    %select_n3A_516 = arith.select %ge3A, %mul3A_513, %broadcast_in_dim3A_515 : vector<64x64xi1>, vector<64x64xf32>
    %reduce_max3A_517 = arith.constant dense<0xFF800000> : vector<64xf32>
    %reduce_max3A_518 = vector.multi_reduction <maximumf>, %select_n3A_516, %reduce_max3A_517 [1] : vector<64x64xf32> to vector<64xf32>
    %broadcast_in_dim3A_519 = vector.shape_cast %reduce_max3A_518 : vector<64xf32> to vector<64x1xf32>
    %sub3A_520 = vector.broadcast %broadcast_in_dim3A_519 : vector<64x1xf32> to vector<64x64xf32>
    %sub3A_521 = arith.subf %select_n3A_516, %sub3A_520 : vector<64x64xf32>
    %exp3A_522 = math.exp %sub3A_521 : vector<64x64xf32>
    %reduce_sum3A_523 = arith.constant dense<0.000000e+00> : vector<64xf32>
    %reduce_sum3A_524 = vector.multi_reduction <add>, %exp3A_522, %reduce_sum3A_523 [1] : vector<64x64xf32> to vector<64xf32>
    %broadcast_in_dim3A_525 = vector.shape_cast %reduce_sum3A_524 : vector<64xf32> to vector<64x1xf32>
    %div3A_526 = vector.broadcast %broadcast_in_dim3A_525 : vector<64x1xf32> to vector<64x64xf32>
    %div3A_527 = arith.divf %exp3A_522, %div3A_526 : vector<64x64xf32>
    %dot_general3A_528 = arith.constant dense<0.000000e+00> : vector<64x64xf32>
    %dot_general3A_529 = tpu.matmul %div3A_527, %slice3A_68, %dot_general3A_528 {dimension_numbers = #tpu.dot_dimension_numbers<[1], [0], [0], [1], [0, 0, 1, 1], [], []>, transpose_lhs_hint = false} : vector<64x64xf32>, vector<64x64xf32>, vector<64x64xf32> -> vector<64x64xf32>
    %slice3A_530 = vector.extract_strided_slice %dot_general3A_20 {offsets = [0, 960], sizes = [64, 64], strides = [1, 1]} : vector<64x1536xf32> to vector<64x64xf32>
    %slice3A_531 = vector.extract_strided_slice %slice3A_530 {offsets = [0, 0], sizes = [64, 32], strides = [1, 1]} : vector<64x64xf32> to vector<64x32xf32>
    %slice3A_532 = vector.extract_strided_slice %slice3A_530 {offsets = [0, 32], sizes = [64, 32], strides = [1, 1]} : vector<64x64xf32> to vector<64x32xf32>
    %mul3A_533 = arith.mulf %slice3A_531, %get3A_23 : vector<64x32xf32>
    %mul3A_534 = arith.mulf %slice3A_532, %get3A_26 : vector<64x32xf32>
    %sub3A_535 = arith.subf %mul3A_533, %mul3A_534 : vector<64x32xf32>
    %mul3A_536 = arith.mulf %slice3A_531, %get3A_26 : vector<64x32xf32>
    %mul3A_537 = arith.mulf %slice3A_532, %get3A_23 : vector<64x32xf32>
    %add3A_538 = arith.addf %mul3A_536, %mul3A_537 : vector<64x32xf32>
    %concatenate3A_539 = tpu.concatenate %sub3A_535, %add3A_538 in 1 : vector<64x32xf32>, vector<64x32xf32> -> vector<64x64xf32>
    %dot_general3A_540 = arith.constant dense<0.000000e+00> : vector<64x64xf32>
    %dot_general3A_541 = tpu.matmul %concatenate3A_539, %concatenate3A_67, %dot_general3A_540 {dimension_numbers = #tpu.dot_dimension_numbers<[1], [1], [0], [0], [0, 0, 1, 0], [], []>, transpose_lhs_hint = false} : vector<64x64xf32>, vector<64x64xf32>, vector<64x64xf32> -> vector<64x64xf32>
    %mul3A_542 = arith.constant 1.562500e-02 : f32
    %mul3A_543 = vector.broadcast %mul3A_542 : f32 to vector<64x64xf32>
    %mul3A_544 = arith.mulf %dot_general3A_541, %mul3A_543 : vector<64x64xf32>
    %jit3A_545 = arith.constant -1.000000e+30 : f32
    %broadcast_in_dim3A_546 = vector.broadcast %jit3A_545 : f32 to vector<64x64xf32>
    %select_n3A_547 = arith.select %ge3A, %mul3A_544, %broadcast_in_dim3A_546 : vector<64x64xi1>, vector<64x64xf32>
    %reduce_max3A_548 = arith.constant dense<0xFF800000> : vector<64xf32>
    %reduce_max3A_549 = vector.multi_reduction <maximumf>, %select_n3A_547, %reduce_max3A_548 [1] : vector<64x64xf32> to vector<64xf32>
    %broadcast_in_dim3A_550 = vector.shape_cast %reduce_max3A_549 : vector<64xf32> to vector<64x1xf32>
    %sub3A_551 = vector.broadcast %broadcast_in_dim3A_550 : vector<64x1xf32> to vector<64x64xf32>
    %sub3A_552 = arith.subf %select_n3A_547, %sub3A_551 : vector<64x64xf32>
    %exp3A_553 = math.exp %sub3A_552 : vector<64x64xf32>
    %reduce_sum3A_554 = arith.constant dense<0.000000e+00> : vector<64xf32>
    %reduce_sum3A_555 = vector.multi_reduction <add>, %exp3A_553, %reduce_sum3A_554 [1] : vector<64x64xf32> to vector<64xf32>
    %broadcast_in_dim3A_556 = vector.shape_cast %reduce_sum3A_555 : vector<64xf32> to vector<64x1xf32>
    %div3A_557 = vector.broadcast %broadcast_in_dim3A_556 : vector<64x1xf32> to vector<64x64xf32>
    %div3A_558 = arith.divf %exp3A_553, %div3A_557 : vector<64x64xf32>
    %dot_general3A_559 = arith.constant dense<0.000000e+00> : vector<64x64xf32>
    %dot_general3A_560 = tpu.matmul %div3A_558, %slice3A_68, %dot_general3A_559 {dimension_numbers = #tpu.dot_dimension_numbers<[1], [0], [0], [1], [0, 0, 1, 1], [], []>, transpose_lhs_hint = false} : vector<64x64xf32>, vector<64x64xf32>, vector<64x64xf32> -> vector<64x64xf32>
    %concatenate3A_561 = tpu.concatenate %dot_general3A_95, %dot_general3A_126, %dot_general3A_157, %dot_general3A_188, %dot_general3A_219, %dot_general3A_250, %dot_general3A_281, %dot_general3A_312, %dot_general3A_343, %dot_general3A_374, %dot_general3A_405, %dot_general3A_436, %dot_general3A_467, %dot_general3A_498, %dot_general3A_529, %dot_general3A_560 in 1 : vector<64x64xf32>, vector<64x64xf32>, vector<64x64xf32>, vector<64x64xf32>, vector<64x64xf32>, vector<64x64xf32>, vector<64x64xf32>, vector<64x64xf32>, vector<64x64xf32>, vector<64x64xf32>, vector<64x64xf32>, vector<64x64xf32>, vector<64x64xf32>, vector<64x64xf32>, vector<64x64xf32>, vector<64x64xf32> -> vector<64x1024xf32>
    %get3A_562 = arith.constant 0 : index
    %get3A_563 = arith.constant 0 : index
    %get3A_564 = vector.load %arg3[%get3A_562, %get3A_563] : memref<1024x1024xf32, #tpu.memory_space<vmem>>, vector<1024x1024xf32>
    %dot_general3A_565 = arith.constant dense<0.000000e+00> : vector<64x1024xf32>
    %dot_general3A_566 = tpu.matmul %concatenate3A_561, %get3A_564, %dot_general3A_565 {dimension_numbers = #tpu.dot_dimension_numbers<[1], [0], [0], [1], [0, 0, 1, 1], [], []>, transpose_lhs_hint = false} : vector<64x1024xf32>, vector<1024x1024xf32>, vector<64x1024xf32> -> vector<64x1024xf32>
    %mul3A_567 = arith.constant 2.200000e-01 : f32
    %mul3A_568 = vector.broadcast %mul3A_567 : f32 to vector<64x1024xf32>
    %mul3A_569 = arith.mulf %dot_general3A_566, %mul3A_568 : vector<64x1024xf32>
    %add3A_570 = arith.addf %mul3A_3, %mul3A_569 : vector<64x1024xf32>
    %swap3A = arith.constant 0 : index
    %swap3A_571 = arith.constant 0 : index
    %swap3A_572 = vector.load %arg8[%swap3A, %swap3A_571] : memref<64x1024xf32, #tpu.memory_space<vmem>>, vector<64x1024xf32>
    tpu.vector_store %arg8[%swap3A, %swap3A_571], %add3A_570 {strides = array<i32>} : memref<64x1024xf32, #tpu.memory_space<vmem>>, vector<64x1024xf32>,
    %mul3A_573 = arith.mulf %add3A_570, %add3A_570 : vector<64x1024xf32>
    %reduce_sum3A_574 = arith.constant dense<0.000000e+00> : vector<64xf32>
    %reduce_sum3A_575 = vector.multi_reduction <add>, %mul3A_573, %reduce_sum3A_574 [1] : vector<64x1024xf32> to vector<64xf32>
    %broadcast_in_dim3A_576 = vector.shape_cast %reduce_sum3A_575 : vector<64xf32> to vector<64x1xf32>
    %div3A_577 = arith.constant 1.024000e+03 : f32
    %div3A_578 = vector.broadcast %div3A_577 : f32 to vector<64x1xf32>
    %div3A_579 = arith.divf %broadcast_in_dim3A_576, %div3A_578 : vector<64x1xf32>
    %add3A_580 = arith.constant 9.99999997E-7 : f32
    %add3A_581 = vector.broadcast %add3A_580 : f32 to vector<64x1xf32>
    %add3A_582 = arith.addf %div3A_579, %add3A_581 : vector<64x1xf32>
    %rsqrt3A_583 = math.rsqrt %add3A_582 : vector<64x1xf32>
    %mul3A_584 = vector.broadcast %rsqrt3A_583 : vector<64x1xf32> to vector<64x1024xf32>
    %mul3A_585 = arith.mulf %add3A_570, %mul3A_584 : vector<64x1024xf32>
    %get3A_586 = arith.constant 0 : index
    %get3A_587 = arith.constant 0 : index
    %get3A_588 = vector.load %arg6[%get3A_586, %get3A_587] : memref<1x1024xf32, #tpu.memory_space<vmem>>, vector<1x1024xf32>
    %mul3A_589 = vector.broadcast %get3A_588 : vector<1x1024xf32> to vector<64x1024xf32>
    %mul3A_590 = arith.mulf %mul3A_585, %mul3A_589 : vector<64x1024xf32>
    %swap3A_591 = arith.constant 0 : index
    %swap3A_592 = arith.constant 0 : index
    %swap3A_593 = vector.load %arg9[%swap3A_591, %swap3A_592] : memref<64x1024xf32, #tpu.memory_space<vmem>>, vector<64x1024xf32>
    tpu.vector_store %arg9[%swap3A_591, %swap3A_592], %mul3A_590 {strides = array<i32>} : memref<64x1024xf32, #tpu.memory_space<vmem>>, vector<64x1024xf32>,
    %get3A_594 = arith.constant 0 : index
    %get3A_595 = arith.constant 0 : index
    %get3A_596 = vector.load %arg7[%get3A_594, %get3A_595] : memref<1024x64xf32, #tpu.memory_space<vmem>>, vector<1024x64xf32>
    %dot_general3A_597 = arith.constant dense<0.000000e+00> : vector<64x64xf32>
    %dot_general3A_598 = tpu.matmul %mul3A_590, %get3A_596, %dot_general3A_597 {dimension_numbers = #tpu.dot_dimension_numbers<[1], [0], [0], [1], [0, 0, 1, 1], [], []>, transpose_lhs_hint = false} : vector<64x1024xf32>, vector<1024x64xf32>, vector<64x64xf32> -> vector<64x64xf32>
    %reduce_max3A_599 = arith.constant dense<0xFF800000> : vector<64xf32>
    %reduce_max3A_600 = vector.multi_reduction <maximumf>, %dot_general3A_598, %reduce_max3A_599 [1] : vector<64x64xf32> to vector<64xf32>
    %broadcast_in_dim3A_601 = vector.shape_cast %reduce_max3A_600 : vector<64xf32> to vector<64x1xf32>
    %sub3A_602 = vector.broadcast %broadcast_in_dim3A_601 : vector<64x1xf32> to vector<64x64xf32>
    %sub3A_603 = arith.subf %dot_general3A_598, %sub3A_602 : vector<64x64xf32>
    %exp3A_604 = math.exp %sub3A_603 : vector<64x64xf32>
    %reduce_sum3A_605 = arith.constant dense<0.000000e+00> : vector<64xf32>
    %reduce_sum3A_606 = vector.multi_reduction <add>, %exp3A_604, %reduce_sum3A_605 [1] : vector<64x64xf32> to vector<64xf32>
    %broadcast_in_dim3A_607 = vector.shape_cast %reduce_sum3A_606 : vector<64xf32> to vector<64x1xf32>
    %div3A_608 = vector.broadcast %broadcast_in_dim3A_607 : vector<64x1xf32> to vector<64x64xf32>
    %div3A_609 = arith.divf %exp3A_604, %div3A_608 : vector<64x64xf32>
    %iota3A_610 = tpu.iota {dimensions = array<i32: 1>} : vector<64x64xi32>
    %reduce_max3A_611 = arith.constant dense<0xFF800000> : vector<64xf32>
    %reduce_max3A_612 = vector.multi_reduction <maximumf>, %div3A_609, %reduce_max3A_611 [1] : vector<64x64xf32> to vector<64xf32>
    %broadcast_in_dim3A_613 = vector.shape_cast %reduce_max3A_612 : vector<64xf32> to vector<64x1xf32>
    %eq3A = vector.broadcast %broadcast_in_dim3A_613 : vector<64x1xf32> to vector<64x64xf32>
    %eq3A_614 = arith.cmpf oeq, %div3A_609, %eq3A : vector<64x64xf32>
    %jit3A_615 = arith.constant 64 : i32
    %broadcast_in_dim3A_616 = vector.broadcast %jit3A_615 : i32 to vector<64x64xi32>
    %select_n3A_617 = arith.select %eq3A_614, %iota3A_610, %broadcast_in_dim3A_616 : vector<64x64xi1>, vector<64x64xi32>
    %reduce_min3A = arith.constant dense<2147483647> : vector<64xi32>
    %reduce_min3A_618 = vector.multi_reduction <minsi>, %select_n3A_617, %reduce_min3A [1] : vector<64x64xi32> to vector<64xi32>
    %broadcast_in_dim3A_619 = vector.shape_cast %reduce_min3A_618 : vector<64xi32> to vector<64x1xi32>
    %eq3A_620 = vector.broadcast %broadcast_in_dim3A_619 : vector<64x1xi32> to vector<64x64xi32>
    %eq3A_621 = arith.cmpi eq, %iota3A_610, %eq3A_620 : vector<64x64xi32>
    %jit3A_622 = arith.constant -1.000000e+00 : f32
    %broadcast_in_dim3A_623 = vector.broadcast %jit3A_622 : f32 to vector<64x64xf32>
    %select_n3A_624 = arith.select %eq3A_621, %broadcast_in_dim3A_623, %div3A_609 : vector<64x64xi1>, vector<64x64xf32>
    %reduce_max3A_625 = arith.constant dense<0xFF800000> : vector<64xf32>
    %reduce_max3A_626 = vector.multi_reduction <maximumf>, %select_n3A_624, %reduce_max3A_625 [1] : vector<64x64xf32> to vector<64xf32>
    %broadcast_in_dim3A_627 = vector.shape_cast %reduce_max3A_626 : vector<64xf32> to vector<64x1xf32>
    %eq3A_628 = vector.broadcast %broadcast_in_dim3A_627 : vector<64x1xf32> to vector<64x64xf32>
    %eq3A_629 = arith.cmpf oeq, %select_n3A_624, %eq3A_628 : vector<64x64xf32>
    %jit3A_630 = arith.constant 64 : i32
    %broadcast_in_dim3A_631 = vector.broadcast %jit3A_630 : i32 to vector<64x64xi32>
    %select_n3A_632 = arith.select %eq3A_629, %iota3A_610, %broadcast_in_dim3A_631 : vector<64x64xi1>, vector<64x64xi32>
    %reduce_min3A_633 = arith.constant dense<2147483647> : vector<64xi32>
    %reduce_min3A_634 = vector.multi_reduction <minsi>, %select_n3A_632, %reduce_min3A_633 [1] : vector<64x64xi32> to vector<64xi32>
    %broadcast_in_dim3A_635 = vector.shape_cast %reduce_min3A_634 : vector<64xi32> to vector<64x1xi32>
    %add3A_636 = arith.addf %broadcast_in_dim3A_613, %broadcast_in_dim3A_627 : vector<64x1xf32>
    %eq3A_637 = vector.broadcast %broadcast_in_dim3A_619 : vector<64x1xi32> to vector<64x64xi32>
    %eq3A_638 = arith.cmpi eq, %iota3A_610, %eq3A_637 : vector<64x64xi32>
    %jit3A_639 = arith.constant 0.000000e+00 : f32
    %broadcast_in_dim3A_640 = vector.shape_cast %broadcast_in_dim3A_613 : vector<64x1xf32> to vector<64x1xf32>
    %broadcast_in_dim3A_641 = vector.broadcast %broadcast_in_dim3A_640 : vector<64x1xf32> to vector<64x64xf32>
    %broadcast_in_dim3A_642 = vector.broadcast %jit3A_639 : f32 to vector<64x64xf32>
    %select_n3A_643 = arith.select %eq3A_638, %broadcast_in_dim3A_641, %broadcast_in_dim3A_642 : vector<64x64xi1>, vector<64x64xf32>
    %eq3A_644 = vector.broadcast %broadcast_in_dim3A_635 : vector<64x1xi32> to vector<64x64xi32>
    %eq3A_645 = arith.cmpi eq, %iota3A_610, %eq3A_644 : vector<64x64xi32>
    %jit3A_646 = arith.constant 0.000000e+00 : f32
    %broadcast_in_dim3A_647 = vector.shape_cast %broadcast_in_dim3A_627 : vector<64x1xf32> to vector<64x1xf32>
    %broadcast_in_dim3A_648 = vector.broadcast %broadcast_in_dim3A_647 : vector<64x1xf32> to vector<64x64xf32>
    %broadcast_in_dim3A_649 = vector.broadcast %jit3A_646 : f32 to vector<64x64xf32>
    %select_n3A_650 = arith.select %eq3A_645, %broadcast_in_dim3A_648, %broadcast_in_dim3A_649 : vector<64x64xi1>, vector<64x64xf32>
    %add3A_651 = arith.addf %select_n3A_643, %select_n3A_650 : vector<64x64xf32>
    %div3A_652 = vector.broadcast %add3A_636 : vector<64x1xf32> to vector<64x64xf32>
    %div3A_653 = arith.divf %add3A_651, %div3A_652 : vector<64x64xf32>
    %eq3A_654 = vector.broadcast %broadcast_in_dim3A_619 : vector<64x1xi32> to vector<64x64xi32>
    %eq3A_655 = arith.cmpi eq, %iota3A_610, %eq3A_654 : vector<64x64xi32>
    %eq3A_656 = vector.broadcast %broadcast_in_dim3A_635 : vector<64x1xi32> to vector<64x64xi32>
    %eq3A_657 = arith.cmpi eq, %iota3A_610, %eq3A_656 : vector<64x64xi32>
    %or3A = arith.ori %eq3A_655, %eq3A_657 : vector<64x64xi1>
    %jit3A_658 = arith.constant 1.000000e+00 : f32
    %jit3A_659 = arith.constant 0.000000e+00 : f32
    %broadcast_in_dim3A_660 = vector.broadcast %jit3A_658 : f32 to vector<64x64xf32>
    %broadcast_in_dim3A_661 = vector.broadcast %jit3A_659 : f32 to vector<64x64xf32>
    %select_n3A_662 = arith.select %or3A, %broadcast_in_dim3A_660, %broadcast_in_dim3A_661 : vector<64x64xi1>, vector<64x64xf32>
    %reduce_max3A_663 = arith.constant dense<0xFF800000> : vector<64xf32>
    %reduce_max3A_664 = vector.multi_reduction <maximumf>, %select_n3A_662, %reduce_max3A_663 [0] : vector<64x64xf32> to vector<64xf32>
    %broadcast_in_dim3A_665 = vector.shape_cast %reduce_max3A_664 : vector<64xf32> to vector<1x64xf32>
    %iota3A_666 = tpu.iota {dimensions = array<i32: 0>} : vector<64x64xi32>
    %iota3A_667 = tpu.iota {dimensions = array<i32: 1>} : vector<64x64xi32>
    %convert_element_type3A = arith.sitofp %iota3A_666 : vector<64x64xi32> to vector<64x64xf32>
    %convert_element_type3A_668 = arith.sitofp %iota3A_667 : vector<64x64xi32> to vector<64x64xf32>
    %le3A = arith.cmpi sle, %iota3A_666, %iota3A_667 : vector<64x64xi32>
    %jit3A_669 = arith.constant 1.000000e+00 : f32
    %jit3A_670 = arith.constant 0.000000e+00 : f32
    %broadcast_in_dim3A_671 = vector.broadcast %jit3A_669 : f32 to vector<64x64xf32>
    %broadcast_in_dim3A_672 = vector.broadcast %jit3A_670 : f32 to vector<64x64xf32>
    %select_n3A_673 = arith.select %le3A, %broadcast_in_dim3A_671, %broadcast_in_dim3A_672 : vector<64x64xi1>, vector<64x64xf32>
    %dot_general3A_674 = arith.constant dense<0.000000e+00> : vector<1x64xf32>
    %dot_general3A_675 = tpu.matmul %broadcast_in_dim3A_665, %select_n3A_673, %dot_general3A_674 {dimension_numbers = #tpu.dot_dimension_numbers<[1], [0], [0], [1], [0, 0, 1, 1], [], []>, transpose_lhs_hint = false} : vector<1x64xf32>, vector<64x64xf32>, vector<1x64xf32> -> vector<1x64xf32>
    %slice3A_676 = vector.extract_strided_slice %dot_general3A_675 {offsets = [0, 63], sizes = [1, 1], strides = [1, 1]} : vector<1x64xf32> to vector<1x1xf32>
    %sub3A_677 = arith.subf %dot_general3A_675, %broadcast_in_dim3A_665 : vector<1x64xf32>
    %eq3A_678 = vector.broadcast %sub3A_677 : vector<1x64xf32> to vector<64x64xf32>
    %eq3A_679 = arith.cmpf oeq, %convert_element_type3A, %eq3A_678 : vector<64x64xf32>
    %eq3A_680 = arith.constant 1.000000e+00 : f32
    %eq3A_681 = vector.broadcast %eq3A_680 : f32 to vector<1x64xf32>
    %eq3A_682 = arith.cmpf oeq, %broadcast_in_dim3A_665, %eq3A_681 : vector<1x64xf32>
    %and3A = vector.broadcast %eq3A_682 : vector<1x64xi1> to vector<64x64xi1>
    %and3A_683 = arith.andi %eq3A_679, %and3A : vector<64x64xi1>
    %jit3A_684 = arith.constant 1.000000e+00 : f32
    %jit3A_685 = arith.constant 0.000000e+00 : f32
    %broadcast_in_dim3A_686 = vector.broadcast %jit3A_684 : f32 to vector<64x64xf32>
    %broadcast_in_dim3A_687 = vector.broadcast %jit3A_685 : f32 to vector<64x64xf32>
    %select_n3A_688 = arith.select %and3A_683, %broadcast_in_dim3A_686, %broadcast_in_dim3A_687 : vector<64x64xi1>, vector<64x64xf32>
    %eq3A_689 = arith.constant 1.000000e+00 : f32
    %eq3A_690 = vector.broadcast %eq3A_689 : f32 to vector<64x64xf32>
    %eq3A_691 = arith.cmpf oeq, %select_n3A_688, %eq3A_690 : vector<64x64xf32>
    %jit3A_692 = arith.constant -1.000000e+00 : f32
    %broadcast_in_dim3A_693 = vector.broadcast %jit3A_692 : f32 to vector<64x64xf32>
    %select_n3A_694 = arith.select %eq3A_691, %convert_element_type3A_668, %broadcast_in_dim3A_693 : vector<64x64xi1>, vector<64x64xf32>
    %reduce_max3A_695 = arith.constant dense<0xFF800000> : vector<64xf32>
    %reduce_max3A_696 = vector.multi_reduction <maximumf>, %select_n3A_694, %reduce_max3A_695 [1] : vector<64x64xf32> to vector<64xf32>
    %broadcast_in_dim3A_697 = vector.shape_cast %reduce_max3A_696 : vector<64xf32> to vector<64x1xf32>
    %iota3A_698 = tpu.iota {dimensions = array<i32: 1>} : vector<1x64xi32>
    %convert_element_type3A_699 = arith.sitofp %iota3A_698 : vector<1x64xi32> to vector<1x64xf32>
    %eq3A_700 = arith.constant 1.000000e+00 : f32
    %eq3A_701 = vector.broadcast %eq3A_700 : f32 to vector<1x64xf32>
    %eq3A_702 = arith.cmpf oeq, %broadcast_in_dim3A_665, %eq3A_701 : vector<1x64xf32>
    %jit3A_703 = arith.constant -1.000000e+00 : f32
    %broadcast_in_dim3A_704 = vector.broadcast %jit3A_703 : f32 to vector<1x64xf32>
    %select_n3A_705 = arith.select %eq3A_702, %convert_element_type3A_699, %broadcast_in_dim3A_704 : vector<1x64xi1>, vector<1x64xf32>
    %reduce_max3A_706 = arith.constant dense<0xFF800000> : vector<1xf32>
    %reduce_max3A_707 = vector.multi_reduction <maximumf>, %select_n3A_705, %reduce_max3A_706 [1] : vector<1x64xf32> to vector<1xf32>
    %broadcast_in_dim3A_708 = vector.shape_cast %reduce_max3A_707 : vector<1xf32> to vector<1x1xf32>
    %iota3A_709 = tpu.iota {dimensions = array<i32: 0>} : vector<64x1xi32>
    %convert_element_type3A_710 = arith.sitofp %iota3A_709 : vector<64x1xi32> to vector<64x1xf32>
    %lt3A = vector.broadcast %slice3A_676 : vector<1x1xf32> to vector<64x1xf32>
    %lt3A_711 = arith.cmpf olt, %convert_element_type3A_710, %lt3A : vector<64x1xf32>
    %broadcast_in_dim3A_712 = vector.shape_cast %broadcast_in_dim3A_708 : vector<1x1xf32> to vector<1x1xf32>
    %broadcast_in_dim3A_713 = vector.broadcast %broadcast_in_dim3A_712 : vector<1x1xf32> to vector<64x1xf32>
    %select_n3A_714 = arith.select %lt3A_711, %broadcast_in_dim3A_697, %broadcast_in_dim3A_713 : vector<64x1xi1>, vector<64x1xf32>
    %swap3A_715 = arith.constant 0 : index
    %swap3A_716 = arith.constant 0 : index
    %swap3A_717 = vector.load %arg11[%swap3A_715, %swap3A_716] : memref<64x1xf32, #tpu.memory_space<vmem>>, vector<64x1xf32>
    tpu.vector_store %arg11[%swap3A_715, %swap3A_716], %select_n3A_714 {strides = array<i32>} : memref<64x1xf32, #tpu.memory_space<vmem>>, vector<64x1xf32>,
    %dot_general3A_718 = arith.constant dense<0.000000e+00> : vector<64x64xf32>
    %dot_general3A_719 = tpu.matmul %select_n3A_688, %div3A_653, %dot_general3A_718 {dimension_numbers = #tpu.dot_dimension_numbers<[1], [1], [0], [0], [0, 0, 1, 0], [], []>, transpose_lhs_hint = false} : vector<64x64xf32>, vector<64x64xf32>, vector<64x64xf32> -> vector<64x64xf32>
    %swap3A_720 = arith.constant 0 : index
    %swap3A_721 = arith.constant 0 : index
    %swap3A_722 = vector.load %arg10[%swap3A_720, %swap3A_721] : memref<64x64xf32, #tpu.memory_space<vmem>>, vector<64x64xf32>
    tpu.vector_store %arg10[%swap3A_720, %swap3A_721], %dot_general3A_719 {strides = array<i32>} : memref<64x64xf32, #tpu.memory_space<vmem>>, vector<64x64xf32>,
    return
  }
}

module attributes {stable_mosaic.version = 14 : i64} {
  func.func @_moe_body(%arg0: i32, %arg1: i32, %arg2: memref<64xi32, #tpu.memory_space<smem>>, %arg3: memref<64x1024xf32, #tpu.memory_space<vmem>>, %arg4: memref<64x64xf32, #tpu.memory_space<vmem>>, %arg5: memref<64x1024xf32, #tpu.memory_space<vmem>>, %arg6: memref<1x1024xf32, #tpu.memory_space<vmem>>, %arg7: memref<1x1024x256xf32, #tpu.memory_space<vmem>>, %arg8: memref<1x1024x256xf32, #tpu.memory_space<vmem>>, %arg9: memref<1x256x1024xf32, #tpu.memory_space<vmem>>, %arg10: memref<64x1024xf32, #tpu.memory_space<vmem>>) attributes {dimension_semantics = [#tpu.dimension_semantics<arbitrary>, #tpu.dimension_semantics<arbitrary>], iteration_bounds = array<i64: 64, 2>, scalar_prefetch = 1 : i64, scratch_operands = 0 : i64, tpu.core_type = #tpu.core_type<tc>, window_params = [{pipeline_mode = #tpu.pipeline_mode<synchronous>, transform_indices = @transform_0, window_bounds = array<i64: 64, 1024>}, {pipeline_mode = #tpu.pipeline_mode<synchronous>, transform_indices = @transform_1, window_bounds = array<i64: 64, 64>}, {pipeline_mode = #tpu.pipeline_mode<synchronous>, transform_indices = @transform_2, window_bounds = array<i64: 64, 1024>}, {pipeline_mode = #tpu.pipeline_mode<synchronous>, transform_indices = @transform_3, window_bounds = array<i64: 1, 1024>}, {transform_indices = @transform_4, window_bounds = array<i64: 1, 1024, 256>}, {transform_indices = @transform_5, window_bounds = array<i64: 1, 1024, 256>}, {transform_indices = @transform_6, window_bounds = array<i64: 1, 256, 1024>}, {pipeline_mode = #tpu.pipeline_mode<synchronous>, transform_indices = @transform_7, window_bounds = array<i64: 64, 1024>}]} {
    %get3A = arith.constant 0 : index
    %get3A_0 = arith.constant 0 : index
    %get3A_1 = vector.load %arg3[%get3A, %get3A_0] : memref<64x1024xf32, #tpu.memory_space<vmem>>, vector<64x1024xf32>
    %get3A_2 = arith.constant 0 : index
    %get3A_3 = arith.constant 0 : index
    %get3A_4 = arith.constant 0 : index
    %get3A_5 = vector.load %arg7[%get3A_2, %get3A_3, %get3A_4] : memref<1x1024x256xf32, #tpu.memory_space<vmem>>, vector<1x1024x256xf32>
    %get3A_6 = vector.shape_cast %get3A_5 : vector<1x1024x256xf32> to vector<1024x256xf32>
    %dot_general3A = arith.constant dense<0.000000e+00> : vector<64x256xf32>
    %dot_general3A_7 = tpu.matmul %get3A_1, %get3A_6, %dot_general3A {dimension_numbers = #tpu.dot_dimension_numbers<[1], [0], [0], [1], [0, 0, 1, 1], [], []>, transpose_lhs_hint = false} : vector<64x1024xf32>, vector<1024x256xf32>, vector<64x256xf32> -> vector<64x256xf32>
    %get3A_8 = arith.constant 0 : index
    %get3A_9 = arith.constant 0 : index
    %get3A_10 = arith.constant 0 : index
    %get3A_11 = vector.load %arg8[%get3A_8, %get3A_9, %get3A_10] : memref<1x1024x256xf32, #tpu.memory_space<vmem>>, vector<1x1024x256xf32>
    %get3A_12 = vector.shape_cast %get3A_11 : vector<1x1024x256xf32> to vector<1024x256xf32>
    %dot_general3A_13 = arith.constant dense<0.000000e+00> : vector<64x256xf32>
    %dot_general3A_14 = tpu.matmul %get3A_1, %get3A_12, %dot_general3A_13 {dimension_numbers = #tpu.dot_dimension_numbers<[1], [0], [0], [1], [0, 0, 1, 1], [], []>, transpose_lhs_hint = false} : vector<64x1024xf32>, vector<1024x256xf32>, vector<64x256xf32> -> vector<64x256xf32>
    %neg3A = arith.constant 0.000000e+00 : f32
    %neg3A_15 = vector.broadcast %neg3A : f32 to vector<64x256xf32>
    %neg3A_16 = arith.subf %neg3A_15, %dot_general3A_7 : vector<64x256xf32>
    %exp3A = math.exp %neg3A_16 : vector<64x256xf32>
    %add3A = arith.constant 1.000000e+00 : f32
    %add3A_17 = vector.broadcast %add3A : f32 to vector<64x256xf32>
    %add3A_18 = arith.addf %add3A_17, %exp3A : vector<64x256xf32>
    %div3A = arith.divf %dot_general3A_7, %add3A_18 : vector<64x256xf32>
    %mul3A = arith.mulf %div3A, %dot_general3A_14 : vector<64x256xf32>
    %get3A_19 = arith.index_cast %arg0 : i32 to index
    %get3A_20 = arith.constant 0 : index
    %get3A_21 = vector.load %arg4[%get3A_19, %get3A_20] : memref<64x64xf32, #tpu.memory_space<vmem>>, vector<1x64xf32>
    %transpose3A = tpu.transpose %get3A_21, [1, 0] : vector<1x64xf32> -> vector<64x1xf32>
    %mul3A_22 = vector.broadcast %transpose3A : vector<64x1xf32> to vector<64x256xf32>
    %mul3A_23 = arith.mulf %mul3A, %mul3A_22 : vector<64x256xf32>
    %get3A_24 = arith.constant 0 : index
    %get3A_25 = arith.constant 0 : index
    %get3A_26 = arith.constant 0 : index
    %get3A_27 = vector.load %arg9[%get3A_24, %get3A_25, %get3A_26] : memref<1x256x1024xf32, #tpu.memory_space<vmem>>, vector<1x256x1024xf32>
    %get3A_28 = vector.shape_cast %get3A_27 : vector<1x256x1024xf32> to vector<256x1024xf32>
    %dot_general3A_29 = arith.constant dense<0.000000e+00> : vector<64x1024xf32>
    %dot_general3A_30 = tpu.matmul %mul3A_23, %get3A_28, %dot_general3A_29 {dimension_numbers = #tpu.dot_dimension_numbers<[1], [0], [0], [1], [0, 0, 1, 1], [], []>, transpose_lhs_hint = false} : vector<64x256xf32>, vector<256x1024xf32>, vector<64x1024xf32> -> vector<64x1024xf32>
    %eq3A = arith.constant 0 : i32
    %eq3A_31 = arith.cmpi eq, %arg0, %eq3A : i32
    %eq3A_32 = arith.constant 0 : i32
    %eq3A_33 = arith.cmpi eq, %arg1, %eq3A_32 : i32
    %and3A = arith.andi %eq3A_31, %eq3A_33 : i1
    %convert_element_type3A = arith.extui %and3A : i1 to i32
    %cond3A = arith.constant 0 : i32
    %cond3A_34 = arith.cmpi ne, %convert_element_type3A, %cond3A : i32
    scf.if %cond3A_34 {
      %get3A_47 = arith.constant 0 : index
      %get3A_48 = arith.constant 0 : index
      %get3A_49 = vector.load %arg5[%get3A_47, %get3A_48] : memref<64x1024xf32, #tpu.memory_space<vmem>>, vector<64x1024xf32>
      %mul3A_50 = arith.constant 2.200000e-01 : f32
      %mul3A_51 = vector.broadcast %mul3A_50 : f32 to vector<64x1024xf32>
      %mul3A_52 = arith.mulf %dot_general3A_30, %mul3A_51 : vector<64x1024xf32>
      %add3A_53 = arith.addf %get3A_49, %mul3A_52 : vector<64x1024xf32>
      %swap3A = arith.constant 0 : index
      %swap3A_54 = arith.constant 0 : index
      %swap3A_55 = vector.load %arg10[%swap3A, %swap3A_54] : memref<64x1024xf32, #tpu.memory_space<vmem>>, vector<64x1024xf32>
      tpu.vector_store %arg10[%swap3A, %swap3A_54], %add3A_53 {strides = array<i32>} : memref<64x1024xf32, #tpu.memory_space<vmem>>, vector<64x1024xf32>,
    } else {
    }
    %not3A = arith.constant true
    %not3A_35 = arith.xori %and3A, %not3A : i1
    %convert_element_type3A_36 = arith.extui %not3A_35 : i1 to i32
    %cond3A_37 = arith.constant 0 : i32
    %cond3A_38 = arith.cmpi ne, %convert_element_type3A_36, %cond3A_37 : i32
    scf.if %cond3A_38 {
      %get3A_47 = arith.constant 0 : index
      %get3A_48 = arith.constant 0 : index
      %get3A_49 = vector.load %arg10[%get3A_47, %get3A_48] : memref<64x1024xf32, #tpu.memory_space<vmem>>, vector<64x1024xf32>
      %mul3A_50 = arith.constant 2.200000e-01 : f32
      %mul3A_51 = vector.broadcast %mul3A_50 : f32 to vector<64x1024xf32>
      %mul3A_52 = arith.mulf %dot_general3A_30, %mul3A_51 : vector<64x1024xf32>
      %add3A_53 = arith.addf %get3A_49, %mul3A_52 : vector<64x1024xf32>
      %swap3A = arith.constant 0 : index
      %swap3A_54 = arith.constant 0 : index
      %swap3A_55 = vector.load %arg10[%swap3A, %swap3A_54] : memref<64x1024xf32, #tpu.memory_space<vmem>>, vector<64x1024xf32>
      tpu.vector_store %arg10[%swap3A, %swap3A_54], %add3A_53 {strides = array<i32>} : memref<64x1024xf32, #tpu.memory_space<vmem>>, vector<64x1024xf32>,
    } else {
    }
    %eq3A_39 = arith.constant 63 : i32
    %eq3A_40 = arith.cmpi eq, %arg0, %eq3A_39 : i32
    %eq3A_41 = arith.constant 1 : i32
    %eq3A_42 = arith.cmpi eq, %arg1, %eq3A_41 : i32
    %and3A_43 = arith.andi %eq3A_40, %eq3A_42 : i1
    %convert_element_type3A_44 = arith.extui %and3A_43 : i1 to i32
    %cond3A_45 = arith.constant 0 : i32
    %cond3A_46 = arith.cmpi ne, %convert_element_type3A_44, %cond3A_45 : i32
    scf.if %cond3A_46 {
      %get3A_47 = arith.constant 0 : index
      %get3A_48 = arith.constant 0 : index
      %get3A_49 = vector.load %arg10[%get3A_47, %get3A_48] : memref<64x1024xf32, #tpu.memory_space<vmem>>, vector<64x1024xf32>
      %mul3A_50 = arith.mulf %get3A_49, %get3A_49 : vector<64x1024xf32>
      %reduce_sum3A = arith.constant dense<0.000000e+00> : vector<64xf32>
      %reduce_sum3A_51 = vector.multi_reduction <add>, %mul3A_50, %reduce_sum3A [1] : vector<64x1024xf32> to vector<64xf32>
      %broadcast_in_dim3A = vector.shape_cast %reduce_sum3A_51 : vector<64xf32> to vector<64x1xf32>
      %div3A_52 = arith.constant 1.024000e+03 : f32
      %div3A_53 = vector.broadcast %div3A_52 : f32 to vector<64x1xf32>
      %div3A_54 = arith.divf %broadcast_in_dim3A, %div3A_53 : vector<64x1xf32>
      %add3A_55 = arith.constant 9.99999997E-7 : f32
      %add3A_56 = vector.broadcast %add3A_55 : f32 to vector<64x1xf32>
      %add3A_57 = arith.addf %div3A_54, %add3A_56 : vector<64x1xf32>
      %rsqrt3A = math.rsqrt %add3A_57 : vector<64x1xf32>
      %mul3A_58 = vector.broadcast %rsqrt3A : vector<64x1xf32> to vector<64x1024xf32>
      %mul3A_59 = arith.mulf %get3A_49, %mul3A_58 : vector<64x1024xf32>
      %get3A_60 = arith.constant 0 : index
      %get3A_61 = arith.constant 0 : index
      %get3A_62 = vector.load %arg6[%get3A_60, %get3A_61] : memref<1x1024xf32, #tpu.memory_space<vmem>>, vector<1x1024xf32>
      %mul3A_63 = vector.broadcast %get3A_62 : vector<1x1024xf32> to vector<64x1024xf32>
      %mul3A_64 = arith.mulf %mul3A_59, %mul3A_63 : vector<64x1024xf32>
      %swap3A = arith.constant 0 : index
      %swap3A_65 = arith.constant 0 : index
      %swap3A_66 = vector.load %arg10[%swap3A, %swap3A_65] : memref<64x1024xf32, #tpu.memory_space<vmem>>, vector<64x1024xf32>
      tpu.vector_store %arg10[%swap3A, %swap3A_65], %mul3A_64 {strides = array<i32>} : memref<64x1024xf32, #tpu.memory_space<vmem>>, vector<64x1024xf32>,
    } else {
    }
    return
  }
  func.func @transform_0(%arg0: i32, %arg1: i32, %arg2: memref<64xi32, #tpu.memory_space<smem>>) -> (i32, i32) {
    %c0_i32 = arith.constant 0 : i32
    %c0_i32_0 = arith.constant 0 : i32
    %c0_i32_1 = arith.constant 0 : i32
    return %c0_i32, %c0_i32_0 : i32, i32
  }
  func.func @transform_1(%arg0: i32, %arg1: i32, %arg2: memref<64xi32, #tpu.memory_space<smem>>) -> (i32, i32) {
    %c0_i32 = arith.constant 0 : i32
    %c0_i32_0 = arith.constant 0 : i32
    %c0_i32_1 = arith.constant 0 : i32
    return %c0_i32, %c0_i32_0 : i32, i32
  }
  func.func @transform_2(%arg0: i32, %arg1: i32, %arg2: memref<64xi32, #tpu.memory_space<smem>>) -> (i32, i32) {
    %c0_i32 = arith.constant 0 : i32
    %c0_i32_0 = arith.constant 0 : i32
    %c0_i32_1 = arith.constant 0 : i32
    return %c0_i32, %c0_i32_0 : i32, i32
  }
  func.func @transform_3(%arg0: i32, %arg1: i32, %arg2: memref<64xi32, #tpu.memory_space<smem>>) -> (i32, i32) {
    %c0_i32 = arith.constant 0 : i32
    %c0_i32_0 = arith.constant 0 : i32
    %c0_i32_1 = arith.constant 0 : i32
    return %c0_i32, %c0_i32_0 : i32, i32
  }
  func.func @transform_4(%arg0: i32, %arg1: i32, %arg2: memref<64xi32, #tpu.memory_space<smem>>) -> (i32, i32, i32) {
    %get3A = arith.index_cast %arg0 : i32 to index
    %get3A_0 = memref.load %arg2[%get3A] : memref<64xi32, #tpu.memory_space<smem>>
    %c0_i32 = arith.constant 0 : i32
    %c0_i32_1 = arith.constant 0 : i32
    return %get3A_0, %c0_i32, %arg1 : i32, i32, i32
  }
  func.func @transform_5(%arg0: i32, %arg1: i32, %arg2: memref<64xi32, #tpu.memory_space<smem>>) -> (i32, i32, i32) {
    %get3A = arith.index_cast %arg0 : i32 to index
    %get3A_0 = memref.load %arg2[%get3A] : memref<64xi32, #tpu.memory_space<smem>>
    %c0_i32 = arith.constant 0 : i32
    %c0_i32_1 = arith.constant 0 : i32
    return %get3A_0, %c0_i32, %arg1 : i32, i32, i32
  }
  func.func @transform_6(%arg0: i32, %arg1: i32, %arg2: memref<64xi32, #tpu.memory_space<smem>>) -> (i32, i32, i32) {
    %get3A = arith.index_cast %arg0 : i32 to index
    %get3A_0 = memref.load %arg2[%get3A] : memref<64xi32, #tpu.memory_space<smem>>
    %c0_i32 = arith.constant 0 : i32
    %c0_i32_1 = arith.constant 0 : i32
    return %get3A_0, %arg1, %c0_i32 : i32, i32, i32
  }
  func.func @transform_7(%arg0: i32, %arg1: i32, %arg2: memref<64xi32, #tpu.memory_space<smem>>) -> (i32, i32) {
    %c0_i32 = arith.constant 0 : i32
    %c0_i32_0 = arith.constant 0 : i32
    %c0_i32_1 = arith.constant 0 : i32
    return %c0_i32, %c0_i32_0 : i32, i32
  }
}

</mosaic_0001>

<sc_bundles>
// kernel: kernel.7.cloned.1.call-start
scs
__scs_entry_jumppad:
0x0: {  	(pc) =	sbr.rel $0x88, $3  }
0x1: {  	(tag) =	ssettag $0x0;
	lr =	simm.s32 $0x1  }
0x2: {  	[smem:$0x3F95] =	sst lr;
	_ =	strace $0xD0000000  }
0x3: {  	_ = 	snop  }
0x4: {  	_ = 	snop  }
0x5: {  	_ = 	snop  }
0x6: {  	_ = 	snop  }
0x7: {  	_ = 	snop  }
__scs_overlays_trampoline_lowered:
0x8: {  	[smem:$0x3FA4] =	sst s0  }
0x9: {  	[smem:$0x3FA5] =	sst s1  }
0xa: {  	[smem:$0x3FA6] =	sst s2  }
0xb: {  	[smem:$0x3FA7] =	sst s3  }
0xc: {  	[smem:$0x3FA8] =	sst s4  }
0xd: {  	[smem:$0x3FA9] =	sst s5  }
0xe: {  	[smem:$0x3FAA] =	sst s6  }
0xf: {  	[smem:$0x3FAB] =	sst s7  }
0x10: {  	[smem:$0x3FAC] =	sst s8  }
0x11: {  	[smem:$0x3FAD] =	sst s9;
	s0 =	simm.s32 @!p0 $0x0  }
0x12: {  	s1 =	sld [smem:$0x3F93];
	s0 =	simm.s32 @p0 $0x1  }
0x13: {  	[smem:$0x3FAE] =	sst s0;
	s0 =	simm.s32 @!p1 $0x0  }
0x14: {  	s2 =	sld [smem:$0x3F92];
	s0 =	simm.s32 @p1 $0x1  }
0x15: {  	[smem:$0x3FAF] =	sst s0;
	s0 =	simm.s32 @!p2 $0x0  }
0x16: {  	s3 =	sld [smem:$0x3FDB];
	s0 =	simm.s32 @p2 $0x1  }
0x17: {  	s4 =	simm.s32 $0x1BF5;
	[smem:$0x3FB1] =	sst s0  }
0x18: {  	s0 =	sld [smem:$0x3F94];
	_ =	swait.ge [sflag:s4], $0x0  }
0x19: {  	s7 =	sld [smem:$0x3F95]  }
0x1a: {  	s8 =	sadd.s32 $0xFFFFE003, lr  }
0x1b: {  	s9 =	sadd.s32 $0xFFFFFEF7, lr;
	s5 =	simm.s32 $0xFFFFFFFF;
	p2 =	slt.u32 s8, $0xFFFFF086  }
0x1c: {  	p1 =	slt.u32 s9, $0xF7A;
	s5 =	simm.s32 @!p2 $0x0  }
0x1d: {  	s5 =	simm.s32 @p1 $0x1;
	p0 =	seq.s32 s7, s2  }
0x1e: {  	s7 =	smul.u32 @!p0 $0xF7A, s2;
	p2 =	seq.s32 @!p0 s5, $0x0  }
0x1f: {  	s9 =	smul.u32 $0xF7A, s1;
	s8 =	simm.s32 @!p0 $0x1BF5;
	p2 =	por !p2, p0  }
0x20: {  	[sflag:s8] =	ssyncset.s32 @!p0 $0xFFFFF086;
	s6 =	sadd.s32 @!p0 s3, s7;
	s7 =	simm.s32 @!p0 $0x108  }
0x21: {  	s3 =	sadd.s32 s3, s9;
	s6 =	sadd.s32 @!p0 $0x88, s6;
	s7 =	simm.s32 @p2 $0x1082  }
0x22: {  	[simem:s7], [sflag:s8] =	dma.local @!p0 [hbm:s6], $0xF7A  }
0x23: {  	s9 =	sor.u32 $0xD0000000, s2;
	s6 =	simm.s32 $0x108;
	_ =	swait.ge @!p0 [sflag:s8], $0x0  }
0x24: {  	s3 =	sadd.s32 $0x88, s3;
	s6 =	simm.s32 @!p1 $0x1082;
	[sflag:s4] =	ssyncset.s32 $0xFFFFF086  }
0x25: {  	[simem:s6], [sflag:s4] =	dma.local [hbm:s3], $0xF7A  }
0x26: {  	[smem:$0x3F95] =	sst s1;
	(tag) =	ssettag s2;
	_ =	strace s9  }
0x27: {  	s1 =	sld [smem:$0x3FA5]  }
0x28: {  	s2 =	sld [smem:$0x3FA6]  }
0x29: {  	s4 =	sld [smem:$0x3FA8]  }
0x2a: {  	p0 =	seq.s32 s5, $0x0;
	s5 =	sld [smem:$0x3FA9]  }
0x2b: {  	s6 =	sld [smem:$0x3FAA]  }
0x2c: {  	s7 =	sld [smem:$0x3FAB]  }
0x2d: {  	s3 =	simm.s32 $0x108;
	s8 =	sld [smem:$0x3FAC]  }
0x2e: {  	s3 =	simm.s32 @!p0 $0x1082;
	s9 =	sld [smem:$0x3FAD]  }
0x2f: {  	lr =	sadd.s32 s0, s3;
	s0 =	sld [smem:$0x3FA4]  }
0x30: {  	s3 =	sld [smem:$0x3FA7]  }
0x31: {  	[smem:$0x3FB0] =	sst s10  }
0x32: {  	s10 =	sld [smem:$0x3FAE];
	_ =	sdelay $0x3  }
0x33: {  	p0 =	seq.s32 s10, $0x1;
	s10 =	sld [smem:$0x3FB0];
	_ =	sdelay $0x3  }
0x34: {  	[smem:$0x3FB0] =	sst s10  }
0x35: {  	s10 =	sld [smem:$0x3FAF];
	_ =	sdelay $0x3  }
0x36: {  	p1 =	seq.s32 s10, $0x1;
	s10 =	sld [smem:$0x3FB0];
	_ =	sdelay $0x3  }
0x37: {  	[smem:$0x3FB0] =	sst s10  }
0x38: {  	s10 =	sld [smem:$0x3FB1]  }
0x39: {  	_ = 	snop;
	(pc) =	sbr.ind lr, $3  }
0x3a: {  	_ = 	snop  }
0x3b: {  	_ = 	snop  }
0x3c: {  	p2 =	seq.s32 s10, $0x1;
	s10 =	sld [smem:$0x3FB0]  }
0x3d: {  	_ =	shalt  }
0x3e: {  	_ =	shalt  }
0x3f: {  	_ =	shalt  }
0x40: {  	_ =	shalt  }
0x41: {  	_ =	shalt  }
0x42: {  	_ =	shalt  }
0x43: {  	_ =	shalt  }
0x44: {  	_ =	shalt  }
0x45: {  	_ =	shalt  }
0x46: {  	_ =	shalt  }
0x47: {  	_ =	shalt  }
0x48: {  	_ =	shalt  }
0x49: {  	_ =	shalt  }
0x4a: {  	_ =	shalt  }
0x4b: {  	_ =	shalt  }
0x4c: {  	_ =	shalt  }
0x4d: {  	_ =	shalt  }
0x4e: {  	_ =	shalt  }
0x4f: {  	_ =	shalt  }
0x50: {  	_ =	shalt  }
0x51: {  	_ =	shalt  }
0x52: {  	_ =	shalt  }
0x53: {  	_ =	shalt  }
0x54: {  	_ =	shalt  }
0x55: {  	_ =	shalt  }
0x56: {  	_ =	shalt  }
0x57: {  	_ =	shalt  }
0x58: {  	_ =	shalt  }
0x59: {  	_ =	shalt  }
0x5a: {  	_ =	shalt  }
0x5b: {  	_ =	shalt  }
0x5c: {  	_ =	shalt  }
0x5d: {  	_ =	shalt  }
0x5e: {  	_ =	shalt  }
0x5f: {  	_ =	shalt  }
0x60: {  	_ =	shalt  }
0x61: {  	_ =	shalt  }
0x62: {  	_ =	shalt  }
0x63: {  	_ =	shalt  }
0x64: {  	_ =	shalt  }
0x65: {  	_ =	shalt  }
0x66: {  	_ =	shalt  }
0x67: {  	_ =	shalt  }
0x68: {  	_ =	shalt  }
0x69: {  	_ =	shalt  }
0x6a: {  	_ =	shalt  }
0x6b: {  	_ =	shalt  }
0x6c: {  	_ =	shalt  }
0x6d: {  	_ =	shalt  }
0x6e: {  	_ =	shalt  }
0x6f: {  	_ =	shalt  }
0x70: {  	_ =	shalt  }
0x71: {  	_ =	shalt  }
0x72: {  	_ =	shalt  }
0x73: {  	_ =	shalt  }
0x74: {  	_ =	shalt  }
0x75: {  	_ =	shalt  }
0x76: {  	_ =	shalt  }
0x77: {  	_ =	shalt  }
0x78: {  	_ =	shalt  }
0x79: {  	_ =	shalt  }
0x7a: {  	_ =	shalt  }
0x7b: {  	_ =	shalt  }
0x7c: {  	_ =	shalt  }
0x7d: {  	_ =	shalt  }
0x7e: {  	_ =	shalt  }
0x7f: {  	_ =	shalt  }
0x80: {  	_ =	shalt  }
0x81: {  	_ =	shalt  }
0x82: {  	_ =	shalt  }
0x83: {  	_ =	shalt  }
0x84: {  	_ =	shalt  }
0x85: {  	_ =	shalt  }
0x86: {  	_ =	shalt  }
0x87: {  	_ =	shalt  }
.Lfunc_end0:
.L_simem_size_0:
called_computation_lowered:
.L_overlay_start_0:
0x88: {  	s2 =	sld [smem:$0x3FD9]  }
0x89: {  	s3 =	sld [smem:$0x3FFE];
	_ =	sdelay $0x1  }
0x8a: {  	s1 =	srdreg.scid  }
0x8b: {  	s0 =	sand.u32 $0x1, s1  }
0x8c: {  	s18 =	sshll.u32 s0, $0xA;
	s2 =	sadd.s32 s3, s2  }
0x8d: {  	s2 =	sadd.s32 s2, s18  }
0x8e: {  	[smem:$0x3FBC] =	sst s2  }
0x8f: {  	_ = 	snop  }
0x90: {  	s2 =	sld [smem:$0x3FC9]  }
0x91: {  	s19 =	sld [smem:$0x3FC7]  }
0x92: {  	s4 =	sld [smem:$0x3FD0];
	(tm) =	ssettm $0x1  }
0x93: {  	s5 =	sld [smem:$0x3FFB];
	_ =	sdelay $0x3  }
0x94: {  	_ =	strace s5  }
0x95: {  	s5 =	sld [smem:$0x3FFC];
	_ =	sdelay $0x3  }
0x96: {  	_ =	strace s5  }
0x97: {  	s5 =	sld [smem:$0x3FFD];
	_ =	sdelay $0x3  }
0x98: {  	_ =	strace s5  }
0x99: {  	_ =	strace $0x8FFFFFFF  }
0x9a: {  	s20 =	sld [smem:$0x3FDB];
	_ =	sdelay $0x1  }
0x9b: {  	s6 =	simm.s32 $_scs_section_size  }
0x9c: {  	s7 =	simm.s32 $_size__tile_overlayer_lowered;
	s8 =	simm.s32 $_tile_overlayer_lowered  }
0x9d: {  	s23 =	simm.s32 $0x1BFF;
	s22 =	sshll.u32 s8, $0x1;
	s5 =	sadd.s32 s6, s20  }
0x9e: {  	s9 =	simm.s32 $0x0;
	s21 =	sshll.u32 s7, $0x1;
	s7 =	sadd.s32 s22, s5  }
0x9f: {  	[timem:s9], [sflag:s23] =	dma.local [hbm:s7], s21  }
0xa0: {  	_ =	swait.ge [sflag:s23], s21  }
0xa1: {  	s6 =	ssub.s32 $0x0, s21;
	[sflag:s23] =	ssyncset.done $0x0  }
0xa2: {  	[sflag:s23] =	ssyncadd.s32 s6;
	_ =	sdelay $0x1  }
0xa3: {  	s24 =	simm.s32 $0x1B8B  }
0xa4: {  	_ =	swait.ge [sflag:s24], $0x1  }
0xa5: {  	[sflag:s24] =	ssyncset.done $0x0  }
0xa6: {  	s25 =	simm.s32 $0x1B8E;
	[sflag:s24] =	ssyncadd.s32 $0xFFFFFFFF  }
0xa7: {  	s26 =	simm.s32 $execute0_lowered;
	[smem:$0x3FD2] =	sst s25  }
0xa8: {  	s6 =	sshll.u32 s26, $0x1;
	_ =	strace $0x80000046;
	[dreg:$0x1] =	wrdreg $0xFFFFFFFF  }
0xa9: {  	s28 =	simm.s32 $_size_execute0_lowered;
	s5 =	sadd.s32 s5, s6;
	[dreg:$0x0] =	wrdreg $0x0  }
0xaa: {  	s6 =	sshll.u32 s28, $0x1;
	[dreg:$0x2] =	wrdreg s5  }
0xab: {  	[dreg:$0x3] =	wrdreg s6  }
0xac: {  	[dreg:$0x4] =	wrdreg $0xC0  }
0xad: {  	_ =	task [dreg:s9], $0x5FFFF  }
0xae: {  	[dreg:$0x1] =	wrdreg $0xFFFFFFFF  }
0xaf: {  	[dreg:$0x0] =	wrdreg $0x60  }
0xb0: {  	[dreg:$0x2] =	wrdreg s19  }
0xb1: {  	[dreg:$0x3] =	wrdreg s2  }
0xb2: {  	[dreg:$0x4] =	wrdreg s4  }
0xb3: {  	[dreg:$0x5] =	wrdreg $0x9  }
0xb4: {  	_ =	task.clear_ibuf [dreg:s9], $0x6FFFF;
	_ =	strace $0x90000046  }
0xb5: {  	s29 =	simm.s32 $0x9;
	_ =	strace $0x80000048  }
0xb6: {  	_ =	swait.ge [sflag:s29], $0x1  }
0xb7: {  	[sflag:s29] =	ssyncadd.s32 $0xFFFFFFFF  }
0xb8: {  	_ =	strace $0x90000048  }
0xb9: {  	_ =	sfence  }
0xba: {  	s30 =	sld [smem:$0x0];
	_ =	sdelay $0x2  }
0xbb: {  	s31 =	sshll.u32 s1, $0xD;
	s1 =	sshrl.u32 s1, $0x2  }
0xbc: {  	s3 =	sand.u32 $0x4000, s31;
	s1 =	sadd.s32 s1, s30  }
0xbd: {  	s0 =	sor.u32 s3, s0;
	s1 =	sshll.u32 s1, $0x11  }
0xbe: {  	s0 =	sor.u32 s1, s0  }
0xbf: {  	s0 =	sadd.s32 $0x8F2B, s0  }
0xc0: {  	[sflag:s0] =	ssyncadd.remote.s32 $0x1  }
0xc1: {  	_ =	sfence.sel $0xFFFF  }
0xc2: {  	[dreg:$0x0] =	wrdreg $0xFFFFFFFF;
	(pc) =	sbr.abs _section_cstart, $3  }
0xc3: {  	[dreg:$0x1] =	wrdreg $0xFFFFFFFF  }
0xc4: {  	_ =	task.clear_ibuf [dreg:s9], $0x2FFFF;
	_ =	strace $0x9FFFFFFF  }
0xc5: {  	(tm) =	ssettm $0x7FFFFFFF  }
tec
execute0_lowered:
.L_overlay_start_1:
0x0: {  	(tag) =	ssettag $0x1  }
0x1: {  	s1 =	stileid.u32  }
0x2: {  	p0 =	sgt.u32 s1, $0x3  }
.Ltmp0:
0x3: {  	s2 =	rddreg [dreg:$0x0];
	(pc) =	sbr.rel @p0 .LBB2_4-.Ltmp0, $4  }
0x4: {  	s4 =	rddreg [dreg:$0x1]  }
0x5: {  	s14 =	rddreg [dreg:$0x2];
	s3 =	simm.s32 $0x0  }
0x6: {  	[smem:$0x7FF] =	sst s3  }
0x7: {  	s0 =	rddreg [dreg:$0x3];
	_ =	strace $0x80000047  }
0x8: {  	s5 =	srdreg.scid  }
0x9: {  	s30 =	sshll.u32 s1, $0x1;
	s12 =	sand.u32 $0x1, s5  }
0xa: {  	s15 =	sor.u32 s12, s30  }
0xb: {  	s5 =	sadd.s32 s4, s15;
	s4 =	simm.s32 $0x2  }
0xc: {  	[tilespmem:s3], [sflag:$0x2] =	stream.linear.gather [hbm4b:s5+s3], $0x8, $0x38;
	[tilespmem:$0x2080] =	vst v63  }
0xd: {  	_ =	swait.ge [sflag:s4], $0x8  }
0xe: {  	[sflag:s4] =	ssyncset.done $0x0  }
0xf: {  	[sflag:s4] =	ssyncadd.s32 $0xFFFFFFF8  }
0x10: {  	v0 =	vld.msk [tilespmem:$0x0], $0xff;
	_ =	sdelay $0x4  }
0x11: {  	v1 =	vshll.u32 v0, $0x3  }
0x12: {  	v2 =	vlaneseq.u32;
	v3 =	vand.u32 $0x7, v0;
	v1 =	vand.u32 $0xFFFFFFC0, v1  }
0x13: {  	v0 =	vand.u32 $0x7, v2;
	v2 =	vshrl.u32 v2, $0x3;
	v3 =	vor.u32 v3, v1  }
0x14: {  	v1 =	vmul.u32 $0x8, v2;
	v2 =	vperm.xlane v3, v0;
	_ =	sdelay $0x1  }
0x15: {  	v2 =	vadd.s32 v1, v2;
	_ =	sdelay $0x3  }
0x16: {  	vm0 =	vmmov $0xffff;
	s6 =	simm.s32 $0x80;
	s7 =	sadd.s32 $0x100, s2;
	s16 =	ssub.s32 $0x2, s12  }
0x17: {  	[tilespmem:s6], [sflag:$0x1] =	stream.indirect_vreg.gather [hbm4b:s2+s3], $0x80, v2, vm0, $0xb8;
	[tilespmem:$0x2080] =	vst v63  }
0x18: {  	s8 =	simm.s32 $0x880;
	s9 =	sadd.s32 $0x200, s2;
	s17 =	sshrl.u32 s16, $0x1  }
0x19: {  	[tilespmem:s8], [sflag:$0x1] =	stream.indirect_vreg.gather [hbm4b:s7+s3], $0x80, v2, vm0, $0xb8;
	[tilespmem:$0x2080] =	vst v63  }
0x1a: {  	s10 =	sadd.s32 $0x300, s2;
	s11 =	simm.s32 $0x1080;
	s16 =	ssub.s32 s16, s17  }
0x1b: {  	[tilespmem:s11], [sflag:$0x1] =	stream.indirect_vreg.gather [hbm4b:s9+s3], $0x80, v2, vm0, $0xb8;
	[tilespmem:$0x2080] =	vst v63  }
0x1c: {  	s13 =	simm.s32 $0x1;
	s12 =	simm.s32 $0x1880;
	s31 =	smax.u32 s16, $0x1  }
0x1d: {  	[tilespmem:s12], [sflag:$0x1] =	stream.indirect_vreg.gather [hbm4b:s10+s3], $0x80, v2, vm0, $0xb8;
	[tilespmem:$0x2080] =	vst v63  }
0x1e: {  	p0 =	sne.s32 s31, $0x1;
	_ =	swait.ge [sflag:s13], $0x2000  }
.Ltmp1:
0x1f: {  	s15 =	sshll.u32 s15, $0xA;
	[sflag:s13] =	ssyncset.done $0x0;
	(pc) =	sbr.rel @!p0 .LBB2_3-.Ltmp1, $4  }
0x20: {  	s14 =	sadd.s32 s14, s15;
	[sflag:s13] =	ssyncadd.s32 $0xFFFFE000  }
0x21: {  	[hbm4b:s14+s3] =	stream.linear.scatter [tilespmem:s6], [sflag:$0x2], $0x2000, $0x38;
	[tilespmem:$0x2080] =	vst v63  }
0x22: {  	_ =	swait.ge [sflag:s4], $0x2000  }
0x23: {  	s15 =	sadd.s32 $0xFFFFFFFF, s31;
	[sflag:s4] =	ssyncset.done $0x0  }
.LBB2_2:
0x24: {  	p0 =	sne.s32 s15, $0x1;
	s15 =	sadd.s32 $0xFFFFFFFF, s15;
	[sflag:s4] =	ssyncadd.s32 $0xFFFFE000  }
0x25: {  	[tilespmem:s3], [sflag:$0x2] =	stream.linear.gather [hbm4b:s5+s3], $0x8, $0x38;
	[tilespmem:$0x2080] =	vst v63  }
0x26: {  	_ =	swait.ge [sflag:s4], $0x8  }
0x27: {  	[sflag:s4] =	ssyncset.done $0x0  }
0x28: {  	[sflag:s4] =	ssyncadd.s32 $0xFFFFFFF8  }
0x29: {  	v2 =	vld.msk [tilespmem:$0x0], $0xff;
	_ =	sdelay $0x4  }
0x2a: {  	v3 =	vshll.u32 v2, $0x3  }
0x2b: {  	v2 =	vand.u32 $0x7, v2;
	v3 =	vand.u32 $0xFFFFFFC0, v3  }
0x2c: {  	v2 =	vor.u32 v2, v3  }
0x2d: {  	v2 =	vperm.xlane v2, v0;
	_ =	sdelay $0x1  }
0x2e: {  	v2 =	vadd.s32 v1, v2;
	_ =	sdelay $0x4  }
0x2f: {  	[tilespmem:s6], [sflag:$0x1] =	stream.indirect_vreg.gather [hbm4b:s2+s3], $0x80, v2, vm0, $0xb8;
	[tilespmem:$0x2080] =	vst v63  }
0x30: {  	_ = 	snop  }
0x31: {  	[tilespmem:s8], [sflag:$0x1] =	stream.indirect_vreg.gather [hbm4b:s7+s3], $0x80, v2, vm0, $0xb8;
	[tilespmem:$0x2080] =	vst v63  }
0x32: {  	_ = 	snop  }
0x33: {  	[tilespmem:s11], [sflag:$0x1] =	stream.indirect_vreg.gather [hbm4b:s9+s3], $0x80, v2, vm0, $0xb8;
	[tilespmem:$0x2080] =	vst v63  }
0x34: {  	_ = 	snop  }
0x35: {  	[tilespmem:s12], [sflag:$0x1] =	stream.indirect_vreg.gather [hbm4b:s10+s3], $0x80, v2, vm0, $0xb8;
	[tilespmem:$0x2080] =	vst v63  }
0x36: {  	_ =	swait.ge [sflag:s13], $0x2000  }
.Ltmp2:
0x37: {  	[sflag:s13] =	ssyncset.done $0x0;
	(pc) =	sbr.rel @p0 .LBB2_2-.Ltmp2, $4  }
0x38: {  	[sflag:s13] =	ssyncadd.s32 $0xFFFFE000  }
0x39: {  	[hbm4b:s14+s3] =	stream.linear.scatter [tilespmem:s6], [sflag:$0x2], $0x2000, $0x38;
	[tilespmem:$0x2080] =	vst v63  }
0x3a: {  	_ =	swait.ge [sflag:s4], $0x2000  }
0x3b: {  	[sflag:s4] =	ssyncset.done $0x0  }
.LBB2_3:
0x3c: {  	[sflag:s4] =	ssyncadd.s32 $0xFFFFE000  }
.LBB2_4:
0x3d: {  	_ =	sfence.sel $0x180000  }
0x3e: {  	[bflag:$0x0] =	sbarrier.arrive $0xFFFF  }
0x3f: {  	p0 =	sne.s32 s1, $0x0;
	_ =	strace $0x90000047  }
0x40: {  	s0 =	sadd.s32 @!p0 $0x100000, s0;
	[bflag:$0x2] =	sbarrier.arrive $0xFFFF  }
0x41: {  	[sflag:s0] =	ssyncadd.tile.s32 @!p0 $0x1;
	_ =	shalt  }
.Lfunc_end2:
_tile_overlayer_lowered:
.L_overlay_start_2:
0x42: {  	(tag) =	ssettag $0x2  }
0x43: {  	s0 =	rddreg [dreg:$0x0];
	s2 =	stileid.u32  }
0x44: {  	s1 =	rddreg [dreg:$0x1];
	p0 =	sne.s32 s2, $0x0  }
0x45: {  	s3 =	rddreg [dreg:$0x2];
	[bflag:$0x3] =	sbarrier.arrive $0xFFFF;
	s2 =	simm.s32 @!p0 $0x1C02  }
0x46: {  	[timem:s3], [sflag:s2] =	dma.local @!p0 [hbm:s0], s1  }
0x47: {  	s0 =	simm.s32 @!p0 $0x2  }
0x48: {  	_ =	swait.ge @!p0 [sflag:s0], s1  }
0x49: {  	s1 =	ssub.s32 @!p0 $0x0, s1;
	[sflag:s0] =	ssyncset.done @!p0 $0x0  }
0x4a: {  	[sflag:s0] =	ssyncadd.s32 @!p0 s1  }
0x4b: {  	[bflag:$0x3] =	sbarrier.arrive $0xFFFF  }
0x4c: {  	_ =	shalt  }

</sc_bundles>
